<compile_context>
chip_gen: v7x
topology: tpu7x:2x2x1
jax: 0.10.2.dev20260603
libtpu: 0.0.44.dev20260713+nightly
codegen_flags: <defaults>
</compile_context>

<pallas_src>
import jax
import jax.numpy as jnp
from jax import lax
from jax.experimental import pallas as pl
from jax.experimental.pallas import tpu as pltpu
from jax.experimental.pallas import tpu_sc as plsc

BB, LL, EMBD, RNND = 4, 2048, 1024, 1024
CHK = 1024
NWORK = 32
CH = (BB * LL) // NWORK
GRP = LL // CH


def _tc_body(w_ref, embs_ref, lba_ref, rnn_ref, s_ref, e_ref, wsum_ref):
    @pl.when((pl.program_id(0) == 0) & (pl.program_id(1) == 0))
    def _():
        wsum_ref[...] = jnp.sum(w_ref[...], axis=1)[None, :]

    w1 = wsum_ref[:, :RNND]
    w2 = wsum_ref[:, RNND:]
    x = lba_ref[0] * rnn_ref[0]
    s_ref[...] = jnp.sum(x * w1, axis=1)[None, None, :]
    e_ref[...] = jnp.sum(embs_ref[0] * w2, axis=1)[None, None, :]


def _tc_scores(W, embs, lba, rnn_out):
    return pl.pallas_call(
        _tc_body,
        grid=(BB, LL // CHK),
        in_specs=[
            pl.BlockSpec((EMBD + RNND, RNND), lambda b, l: (0, 0)),
            pl.BlockSpec((1, CHK, EMBD), lambda b, l: (b, l, 0)),
            pl.BlockSpec((1, CHK, RNND), lambda b, l: (b, l, 0)),
            pl.BlockSpec((1, CHK, RNND), lambda b, l: (b, l, 0)),
        ],
        out_specs=[
            pl.BlockSpec((1, 1, CHK), lambda b, l: (b * (LL // CHK) + l, 0, 0)),
            pl.BlockSpec((1, 1, CHK), lambda b, l: (b * (LL // CHK) + l, 0, 0)),
        ],
        out_shape=[
            jax.ShapeDtypeStruct((BB * LL // CHK, 1, CHK), jnp.float32),
            jax.ShapeDtypeStruct((BB * LL // CHK, 1, CHK), jnp.float32),
        ],
        scratch_shapes=[pltpu.VMEM((1, EMBD + RNND), jnp.float32)],
    )(W, embs, lba, rnn_out)


def _sc_body(s_hbm, e_hbm, p_hbm, o_hbm, part_hbm,
             s_v, e_v, p_v, y_v, ps_v, grp_v, sem1, sem2, sem3):
    cid = lax.axis_index("c")
    sid = lax.axis_index("s")
    b = cid * 2 + sid // GRP
    base = (sid % GRP) * CH
    c1 = pltpu.async_copy(s_hbm.at[b], s_v, sem1)
    c2 = pltpu.async_copy(e_hbm.at[b, pl.ds(base, CH)], e_v, sem2)
    c3 = pltpu.async_copy(p_hbm.at[b, pl.ds(base, CH)], p_v, sem3)
    c1.wait()
    c2.wait()
    c3.wait()

    ps = jnp.zeros((16,), jnp.float32)
    for i in range(CH // 16):
        sl = pl.ds(i * 16, 16)
        g = plsc.load_gather(s_v, [p_v[sl]])
        score = g + e_v[sl]
        a = jnp.abs(score)
        t = jnp.exp(a + a)
        th = 1.0 - 2.0 / (t + 1.0)
        th = jnp.where(score < 0.0, -th, th)
        y = jnp.exp(th)
        y_v[sl] = y
        ps = ps + y
    ps_v[...] = ps

    k = cid * 16 + sid
    pltpu.sync_copy(ps_v, part_hbm.at[k])
    plsc.subcore_barrier()
    g0 = cid * 16 + (sid // GRP) * GRP
    pltpu.sync_copy(part_hbm.at[pl.ds(g0, GRP)], grp_v)
    acc = jnp.zeros((16,), jnp.float32)
    for j in range(GRP):
        acc = acc + grp_v[j]
    tot = jnp.full((16,), jnp.sum(acc)) + 1e-7
    inv = 1.0 / tot
    for i in range(CH // 16):
        sl = pl.ds(i * 16, 16)
        y_v[sl] = y_v[sl] * inv
    pltpu.sync_copy(y_v, o_hbm.at[b, pl.ds(base, CH)])


def _sc_normalize(s2d, e2d, p2d):
    mesh = plsc.VectorSubcoreMesh(
        core_axis_name="c", subcore_axis_name="s",
        num_cores=2, num_subcores=16)
    f = pl.kernel(
        _sc_body,
        out_type=[jax.ShapeDtypeStruct((BB, LL), jnp.float32),
                  jax.ShapeDtypeStruct((NWORK, 16), jnp.float32)],
        mesh=mesh,
        scratch_types=[
            pltpu.VMEM((LL,), jnp.float32),
            pltpu.VMEM((CH,), jnp.float32),
            pltpu.VMEM((CH,), jnp.int32),
            pltpu.VMEM((CH,), jnp.float32),
            pltpu.VMEM((16,), jnp.float32),
            pltpu.VMEM((GRP, 16), jnp.float32),
            pltpu.SemaphoreType.DMA,
            pltpu.SemaphoreType.DMA,
            pltpu.SemaphoreType.DMA,
        ],
        compiler_params=pltpu.CompilerParams(needs_layout_passes=False),
    )
    o2d, _ = f(s2d, e2d, p2d)
    return o2d


def kernel(embs, prnt_indices, lba, rnn_out, W):
    s3d, e3d = _tc_scores(W, embs, lba, rnn_out)
    s2d = s3d.reshape(BB, LL)
    e2d = e3d.reshape(BB, LL)
    o2d = _sc_normalize(s2d, e2d, prnt_indices)
    return o2d[..., None]

# --- scband reference (transcript-rebuilt; emitter-appended) ---
"""Pipeline reference for scband-cba-40999757807669 (READ-ONLY COPY).

The authoritative reference and input builder live on the scoring server;
editing this copy changes nothing except your own understanding.
"""

import jax, jax.numpy as jnp
import numpy as np

B, L, EMB, RNN = 4, 2048, 1024, 1024

def setup_inputs(seed: int = 0) -> dict:
    key = jax.random.key(seed)
    k1, k2, k3, k4, k5 = jax.random.split(key, 5)
    embs = jax.random.normal(k1, (B, L, EMB), dtype=jnp.float32)
    prnt_indices = jax.random.randint(k2, (B, L), 0, L).astype(jnp.int32)
    lba = jax.random.uniform(k3, (B, L, RNN), dtype=jnp.float32)
    rnn_out = jax.random.normal(k4, (B, L, RNN), dtype=jnp.float32)
    # learned attention matrix W: (emb_dim + rnn_dim, rnn_dim), glorot-ish init
    W = jax.random.normal(k5, (EMB + RNN, RNN), dtype=jnp.float32) * (1.0 / np.sqrt(EMB + RNN))
    return {"embs": embs, "prnt_indices": prnt_indices, "lba": lba, "rnn_out": rnn_out, "W": W}

def reference(embs, prnt_indices, lba, rnn_out, W):
    b, l, _ = embs.shape
    rnn_dim = rnn_out.shape[-1]
    # lba_rnn = lba * rnn_out
    lba_rnn = lba * rnn_out
    # gather parent rows per instance: get_subtensor(lba_rnn, inst_indcs, flat(prnt_indices))
    flat = lba_rnn.reshape(b * l, rnn_dim)
    inst_indcs = jnp.repeat(jnp.arange(b, dtype=prnt_indices.dtype), l)
    gather_idx = inst_indcs * l + prnt_indices.reshape(-1)
    prnt_lba = jnp.take(flat, gather_idx, axis=0).reshape(b, l, rnn_dim)
    cba_input = jnp.concatenate([prnt_lba, embs], axis=-1)
    cba_output = jnp.sum(jnp.dot(cba_input, W), axis=-1)
    cba_output = jnp.exp(jnp.tanh(cba_output))
    cba_output = cba_output / (jnp.sum(cba_output, axis=1, keepdims=True) + 1e-7)
    return cba_output[..., None]

if __name__ == "__main__":
    import jax
    _d = setup_inputs()
    print(jax.jit(kernel)(*tuple(_d.values())))

</pallas_src>

<mosaic_0001>
#map = affine_map<(d0, d1) -> (0, 0)>
module attributes {stable_mosaic.version = 14 : i64} {
  func.func @_sc_body(%arg0: i32, %arg1: i32, %arg2: memref<4x2048xf32, #tpu.memory_space<hbm>>, %arg3: memref<4x2048xf32, #tpu.memory_space<hbm>>, %arg4: memref<4x2048xi32, #tpu.memory_space<hbm>>, %arg5: memref<4x2048xf32, #tpu.memory_space<hbm>>, %arg6: memref<32x16xf32, #tpu.memory_space<hbm>>, %arg7: memref<2048xf32, #tpu.memory_space<vmem>>, %arg8: memref<256xf32, #tpu.memory_space<vmem>>, %arg9: memref<256xi32, #tpu.memory_space<vmem>>, %arg10: memref<256xf32, #tpu.memory_space<vmem>>, %arg11: memref<16xf32, #tpu.memory_space<vmem>>, %arg12: memref<8x16xf32, #tpu.memory_space<vmem>>, %arg13: memref<!tpu.dma_semaphore, #tpu.memory_space<semaphore_mem>>, %arg14: memref<!tpu.dma_semaphore, #tpu.memory_space<semaphore_mem>>, %arg15: memref<!tpu.dma_semaphore, #tpu.memory_space<semaphore_mem>>) attributes {dimension_semantics = [#tpu.dimension_semantics<core_parallel>, #tpu.dimension_semantics<subcore_parallel>], iteration_bounds = array<i64: 2, 16>, scalar_prefetch = 0 : i64, scratch_operands = 9 : i64, tpu.core_type = #tpu.core_type<sc_vector_subcore>, window_params = [{transform_indices = #map}, {transform_indices = #map}, {transform_indices = #map}, {transform_indices = #map}, {transform_indices = #map}]} {
    %mul3A = arith.constant 2 : i32
    %mul3A_0 = arith.muli %arg0, %mul3A : i32
    %jit3A = arith.constant 8 : i32
    %div3A = arith.divsi %arg1, %jit3A : i32
    %sign3A = arith.constant 0 : i32
    %sign3A_1 = arith.cmpi sgt, %arg1, %sign3A : i32
    %sign3A_2 = arith.extui %sign3A_1 : i1 to i32
    %sign3A_3 = arith.constant 0 : i32
    %sign3A_4 = arith.cmpi slt, %arg1, %sign3A_3 : i32
    %sign3A_5 = arith.extui %sign3A_4 : i1 to i32
    %sign3A_6 = arith.subi %sign3A_2, %sign3A_5 : i32
    %sign3A_7 = arith.constant 0 : i32
    %sign3A_8 = arith.cmpi sgt, %jit3A, %sign3A_7 : i32
    %sign3A_9 = arith.extui %sign3A_8 : i1 to i32
    %sign3A_10 = arith.constant 0 : i32
    %sign3A_11 = arith.cmpi slt, %jit3A, %sign3A_10 : i32
    %sign3A_12 = arith.extui %sign3A_11 : i1 to i32
    %sign3A_13 = arith.subi %sign3A_9, %sign3A_12 : i32
    %ne3A = arith.cmpi ne, %sign3A_6, %sign3A_13 : i32
    %rem3A = arith.remsi %arg1, %jit3A : i32
    %ne3A_14 = arith.constant 0 : i32
    %ne3A_15 = arith.cmpi ne, %rem3A, %ne3A_14 : i32
    %and3A = arith.andi %ne3A, %ne3A_15 : i1
    %sub3A = arith.constant 1 : i32
    %sub3A_16 = arith.subi %div3A, %sub3A : i32
    %select_n3A = arith.select %and3A, %sub3A_16, %div3A : i32
    %add3A = arith.addi %mul3A_0, %select_n3A : i32
    %jit3A_17 = arith.constant 8 : i32
    %eq3A = arith.constant 0 : i32
    %eq3A_18 = arith.cmpi eq, %jit3A_17, %eq3A : i32
    %jit3A_19 = arith.constant 1 : i32
    %select_n3A_20 = arith.select %eq3A_18, %jit3A_19, %jit3A_17 : i32
    %rem3A_21 = arith.remsi %arg1, %select_n3A_20 : i32
    %ne3A_22 = arith.constant 0 : i32
    %ne3A_23 = arith.cmpi ne, %rem3A_21, %ne3A_22 : i32
    %lt3A = arith.constant 0 : i32
    %lt3A_24 = arith.cmpi slt, %rem3A_21, %lt3A : i32
    %lt3A_25 = arith.constant 0 : i32
    %lt3A_26 = arith.cmpi slt, %select_n3A_20, %lt3A_25 : i32
    %ne3A_27 = arith.xori %lt3A_24, %lt3A_26 : i1
    %and3A_28 = arith.andi %ne3A_27, %ne3A_23 : i1
    %add3A_29 = arith.addi %rem3A_21, %select_n3A_20 : i32
    %select_n3A_30 = arith.select %and3A_28, %add3A_29, %rem3A_21 : i32
    %mul3A_31 = arith.constant 256 : i32
    %mul3A_32 = arith.muli %select_n3A_30, %mul3A_31 : i32
    %dma_start3A = arith.constant 0 : i32
    %dma_start3A_33 = tpu.memref_slice %arg2[%add3A, %dma_start3A] : memref<4x2048xf32, #tpu.memory_space<hbm>> -> memref<1x2048xf32, #tpu.memory_space<hbm>>
    %dma_start3A_34 = tpu.memref_squeeze %dma_start3A_33 : memref<1x2048xf32, #tpu.memory_space<hbm>> -> memref<2048xf32, #tpu.memory_space<hbm>>
    %dma_start3A_35 = arith.constant 0 : i32
    %dma_start3A_36 = tpu.memref_slice %arg2[%add3A, %dma_start3A_35] : memref<4x2048xf32, #tpu.memory_space<hbm>> -> memref<1x2048xf32, #tpu.memory_space<hbm>>
    %dma_start3A_37 = tpu.memref_squeeze %dma_start3A_36 : memref<1x2048xf32, #tpu.memory_space<hbm>> -> memref<2048xf32, #tpu.memory_space<hbm>>
    tpu.enqueue_dma source(%dma_start3A_37 : memref<2048xf32, #tpu.memory_space<hbm>>) target(%arg7 : memref<2048xf32, #tpu.memory_space<vmem>>) target_semaphore(%arg13 : memref<!tpu.dma_semaphore, #tpu.memory_space<semaphore_mem>>)
    %dma_start3A_38 = tpu.memref_slice %arg3[%add3A, %mul3A_32] : memref<4x2048xf32, #tpu.memory_space<hbm>> -> memref<1x256xf32, #tpu.memory_space<hbm>>
    %dma_start3A_39 = tpu.memref_squeeze %dma_start3A_38 : memref<1x256xf32, #tpu.memory_space<hbm>> -> memref<256xf32, #tpu.memory_space<hbm>>
    %dma_start3A_40 = tpu.memref_slice %arg3[%add3A, %mul3A_32] : memref<4x2048xf32, #tpu.memory_space<hbm>> -> memref<1x256xf32, #tpu.memory_space<hbm>>
    %dma_start3A_41 = tpu.memref_squeeze %dma_start3A_40 : memref<1x256xf32, #tpu.memory_space<hbm>> -> memref<256xf32, #tpu.memory_space<hbm>>
    tpu.enqueue_dma source(%dma_start3A_41 : memref<256xf32, #tpu.memory_space<hbm>>) target(%arg8 : memref<256xf32, #tpu.memory_space<vmem>>) target_semaphore(%arg14 : memref<!tpu.dma_semaphore, #tpu.memory_space<semaphore_mem>>)
    %dma_start3A_42 = tpu.memref_slice %arg4[%add3A, %mul3A_32] : memref<4x2048xi32, #tpu.memory_space<hbm>> -> memref<1x256xi32, #tpu.memory_space<hbm>>
    %dma_start3A_43 = tpu.memref_squeeze %dma_start3A_42 : memref<1x256xi32, #tpu.memory_space<hbm>> -> memref<256xi32, #tpu.memory_space<hbm>>
    %dma_start3A_44 = tpu.memref_slice %arg4[%add3A, %mul3A_32] : memref<4x2048xi32, #tpu.memory_space<hbm>> -> memref<1x256xi32, #tpu.memory_space<hbm>>
    %dma_start3A_45 = tpu.memref_squeeze %dma_start3A_44 : memref<1x256xi32, #tpu.memory_space<hbm>> -> memref<256xi32, #tpu.memory_space<hbm>>
    tpu.enqueue_dma source(%dma_start3A_45 : memref<256xi32, #tpu.memory_space<hbm>>) target(%arg9 : memref<256xi32, #tpu.memory_space<vmem>>) target_semaphore(%arg15 : memref<!tpu.dma_semaphore, #tpu.memory_space<semaphore_mem>>)
    %dma_wait3A = arith.constant 0 : i32
    %dma_wait3A_46 = tpu.memref_slice %arg2[%add3A, %dma_wait3A] : memref<4x2048xf32, #tpu.memory_space<hbm>> -> memref<1x2048xf32, #tpu.memory_space<hbm>>
    %dma_wait3A_47 = tpu.memref_squeeze %dma_wait3A_46 : memref<1x2048xf32, #tpu.memory_space<hbm>> -> memref<2048xf32, #tpu.memory_space<hbm>>
    %dma_wait3A_48 = arith.constant 0 : i32
    %dma_wait3A_49 = tpu.memref_slice %arg2[%add3A, %dma_wait3A_48] : memref<4x2048xf32, #tpu.memory_space<hbm>> -> memref<1x2048xf32, #tpu.memory_space<hbm>>
    %dma_wait3A_50 = tpu.memref_squeeze %dma_wait3A_49 : memref<1x2048xf32, #tpu.memory_space<hbm>> -> memref<2048xf32, #tpu.memory_space<hbm>>
    tpu.wait_dma2 semaphore(%arg13 : memref<!tpu.dma_semaphore, #tpu.memory_space<semaphore_mem>>) src(%dma_wait3A_50 : memref<2048xf32, #tpu.memory_space<hbm>>) dst(%arg7 : memref<2048xf32, #tpu.memory_space<vmem>>)
    %dma_wait3A_51 = tpu.memref_slice %arg3[%add3A, %mul3A_32] : memref<4x2048xf32, #tpu.memory_space<hbm>> -> memref<1x256xf32, #tpu.memory_space<hbm>>
    %dma_wait3A_52 = tpu.memref_squeeze %dma_wait3A_51 : memref<1x256xf32, #tpu.memory_space<hbm>> -> memref<256xf32, #tpu.memory_space<hbm>>
    %dma_wait3A_53 = tpu.memref_slice %arg3[%add3A, %mul3A_32] : memref<4x2048xf32, #tpu.memory_space<hbm>> -> memref<1x256xf32, #tpu.memory_space<hbm>>
    %dma_wait3A_54 = tpu.memref_squeeze %dma_wait3A_53 : memref<1x256xf32, #tpu.memory_space<hbm>> -> memref<256xf32, #tpu.memory_space<hbm>>
    tpu.wait_dma2 semaphore(%arg14 : memref<!tpu.dma_semaphore, #tpu.memory_space<semaphore_mem>>) src(%dma_wait3A_54 : memref<256xf32, #tpu.memory_space<hbm>>) dst(%arg8 : memref<256xf32, #tpu.memory_space<vmem>>)
    %dma_wait3A_55 = tpu.memref_slice %arg4[%add3A, %mul3A_32] : memref<4x2048xi32, #tpu.memory_space<hbm>> -> memref<1x256xi32, #tpu.memory_space<hbm>>
    %dma_wait3A_56 = tpu.memref_squeeze %dma_wait3A_55 : memref<1x256xi32, #tpu.memory_space<hbm>> -> memref<256xi32, #tpu.memory_space<hbm>>
    %dma_wait3A_57 = tpu.memref_slice %arg4[%add3A, %mul3A_32] : memref<4x2048xi32, #tpu.memory_space<hbm>> -> memref<1x256xi32, #tpu.memory_space<hbm>>
    %dma_wait3A_58 = tpu.memref_squeeze %dma_wait3A_57 : memref<1x256xi32, #tpu.memory_space<hbm>> -> memref<256xi32, #tpu.memory_space<hbm>>
    tpu.wait_dma2 semaphore(%arg15 : memref<!tpu.dma_semaphore, #tpu.memory_space<semaphore_mem>>) src(%dma_wait3A_58 : memref<256xi32, #tpu.memory_space<hbm>>) dst(%arg9 : memref<256xi32, #tpu.memory_space<vmem>>)
    %broadcast_in_dim3A = arith.constant 0.000000e+00 : f32
    %broadcast_in_dim3A_59 = vector.broadcast %broadcast_in_dim3A : f32 to vector<16xf32>
    %get3A = arith.constant 0 : index
    %get3A_60 = tpu.vector_load %arg9[%get3A] {strides = array<i32>} : memref<256xi32, #tpu.memory_space<vmem>>, vector<16xi32>,
    %gather3A = tpu.vector_load_idx %arg7[%get3A_60] : memref<2048xf32, #tpu.memory_space<vmem>>[vector<16xi32>], vector<16xf32>,
    %get3A_61 = arith.constant 0 : index
    %get3A_62 = tpu.vector_load %arg8[%get3A_61] {strides = array<i32>} : memref<256xf32, #tpu.memory_space<vmem>>, vector<16xf32>,
    %add3A_63 = arith.addf %gather3A, %get3A_62 : vector<16xf32>
    %abs3A = math.absf %add3A_63 : vector<16xf32>
    %add3A_64 = arith.addf %abs3A, %abs3A : vector<16xf32>
    %exp3A = math.exp %add3A_64 : vector<16xf32>
    %add3A_65 = arith.constant 1.000000e+00 : f32
    %add3A_66 = vector.broadcast %add3A_65 : f32 to vector<16xf32>
    %add3A_67 = arith.addf %exp3A, %add3A_66 : vector<16xf32>
    %div3A_68 = arith.constant 2.000000e+00 : f32
    %div3A_69 = vector.broadcast %div3A_68 : f32 to vector<16xf32>
    %div3A_70 = arith.divf %div3A_69, %add3A_67 : vector<16xf32>
    %sub3A_71 = arith.constant 1.000000e+00 : f32
    %sub3A_72 = vector.broadcast %sub3A_71 : f32 to vector<16xf32>
    %sub3A_73 = arith.subf %sub3A_72, %div3A_70 : vector<16xf32>
    %lt3A_74 = arith.constant 0.000000e+00 : f32
    %lt3A_75 = vector.broadcast %lt3A_74 : f32 to vector<16xf32>
    %lt3A_76 = arith.cmpf olt, %add3A_63, %lt3A_75 : vector<16xf32>
    %neg3A = arith.constant 0.000000e+00 : f32
    %neg3A_77 = vector.broadcast %neg3A : f32 to vector<16xf32>
    %neg3A_78 = arith.subf %neg3A_77, %sub3A_73 : vector<16xf32>
    %select_n3A_79 = arith.select %lt3A_76, %neg3A_78, %sub3A_73 : vector<16xi1>, vector<16xf32>
    %exp3A_80 = math.exp %select_n3A_79 : vector<16xf32>
    %swap3A = arith.constant 0 : index
    %swap3A_81 = tpu.vector_load %arg10[%swap3A] {strides = array<i32>} : memref<256xf32, #tpu.memory_space<vmem>>, vector<16xf32>,
    tpu.vector_store %arg10[%swap3A], %exp3A_80 {strides = array<i32>} : memref<256xf32, #tpu.memory_space<vmem>>, vector<16xf32>,
    %add3A_82 = arith.addf %broadcast_in_dim3A_59, %exp3A_80 : vector<16xf32>
    %get3A_83 = arith.constant 16 : index
    %get3A_84 = tpu.vector_load %arg9[%get3A_83] {strides = array<i32>} : memref<256xi32, #tpu.memory_space<vmem>>, vector<16xi32>,
    %gather3A_85 = tpu.vector_load_idx %arg7[%get3A_84] : memref<2048xf32, #tpu.memory_space<vmem>>[vector<16xi32>], vector<16xf32>,
    %get3A_86 = arith.constant 16 : index
    %get3A_87 = tpu.vector_load %arg8[%get3A_86] {strides = array<i32>} : memref<256xf32, #tpu.memory_space<vmem>>, vector<16xf32>,
    %add3A_88 = arith.addf %gather3A_85, %get3A_87 : vector<16xf32>
    %abs3A_89 = math.absf %add3A_88 : vector<16xf32>
    %add3A_90 = arith.addf %abs3A_89, %abs3A_89 : vector<16xf32>
    %exp3A_91 = math.exp %add3A_90 : vector<16xf32>
    %add3A_92 = arith.constant 1.000000e+00 : f32
    %add3A_93 = vector.broadcast %add3A_92 : f32 to vector<16xf32>
    %add3A_94 = arith.addf %exp3A_91, %add3A_93 : vector<16xf32>
    %div3A_95 = arith.constant 2.000000e+00 : f32
    %div3A_96 = vector.broadcast %div3A_95 : f32 to vector<16xf32>
    %div3A_97 = arith.divf %div3A_96, %add3A_94 : vector<16xf32>
    %sub3A_98 = arith.constant 1.000000e+00 : f32
    %sub3A_99 = vector.broadcast %sub3A_98 : f32 to vector<16xf32>
    %sub3A_100 = arith.subf %sub3A_99, %div3A_97 : vector<16xf32>
    %lt3A_101 = arith.constant 0.000000e+00 : f32
    %lt3A_102 = vector.broadcast %lt3A_101 : f32 to vector<16xf32>
    %lt3A_103 = arith.cmpf olt, %add3A_88, %lt3A_102 : vector<16xf32>
    %neg3A_104 = arith.constant 0.000000e+00 : f32
    %neg3A_105 = vector.broadcast %neg3A_104 : f32 to vector<16xf32>
    %neg3A_106 = arith.subf %neg3A_105, %sub3A_100 : vector<16xf32>
    %select_n3A_107 = arith.select %lt3A_103, %neg3A_106, %sub3A_100 : vector<16xi1>, vector<16xf32>
    %exp3A_108 = math.exp %select_n3A_107 : vector<16xf32>
    %swap3A_109 = arith.constant 16 : index
    %swap3A_110 = tpu.vector_load %arg10[%swap3A_109] {strides = array<i32>} : memref<256xf32, #tpu.memory_space<vmem>>, vector<16xf32>,
    tpu.vector_store %arg10[%swap3A_109], %exp3A_108 {strides = array<i32>} : memref<256xf32, #tpu.memory_space<vmem>>, vector<16xf32>,
    %add3A_111 = arith.addf %add3A_82, %exp3A_108 : vector<16xf32>
    %get3A_112 = arith.constant 32 : index
    %get3A_113 = tpu.vector_load %arg9[%get3A_112] {strides = array<i32>} : memref<256xi32, #tpu.memory_space<vmem>>, vector<16xi32>,
    %gather3A_114 = tpu.vector_load_idx %arg7[%get3A_113] : memref<2048xf32, #tpu.memory_space<vmem>>[vector<16xi32>], vector<16xf32>,
    %get3A_115 = arith.constant 32 : index
    %get3A_116 = tpu.vector_load %arg8[%get3A_115] {strides = array<i32>} : memref<256xf32, #tpu.memory_space<vmem>>, vector<16xf32>,
    %add3A_117 = arith.addf %gather3A_114, %get3A_116 : vector<16xf32>
    %abs3A_118 = math.absf %add3A_117 : vector<16xf32>
    %add3A_119 = arith.addf %abs3A_118, %abs3A_118 : vector<16xf32>
    %exp3A_120 = math.exp %add3A_119 : vector<16xf32>
    %add3A_121 = arith.constant 1.000000e+00 : f32
    %add3A_122 = vector.broadcast %add3A_121 : f32 to vector<16xf32>
    %add3A_123 = arith.addf %exp3A_120, %add3A_122 : vector<16xf32>
    %div3A_124 = arith.constant 2.000000e+00 : f32
    %div3A_125 = vector.broadcast %div3A_124 : f32 to vector<16xf32>
    %div3A_126 = arith.divf %div3A_125, %add3A_123 : vector<16xf32>
    %sub3A_127 = arith.constant 1.000000e+00 : f32
    %sub3A_128 = vector.broadcast %sub3A_127 : f32 to vector<16xf32>
    %sub3A_129 = arith.subf %sub3A_128, %div3A_126 : vector<16xf32>
    %lt3A_130 = arith.constant 0.000000e+00 : f32
    %lt3A_131 = vector.broadcast %lt3A_130 : f32 to vector<16xf32>
    %lt3A_132 = arith.cmpf olt, %add3A_117, %lt3A_131 : vector<16xf32>
    %neg3A_133 = arith.constant 0.000000e+00 : f32
    %neg3A_134 = vector.broadcast %neg3A_133 : f32 to vector<16xf32>
    %neg3A_135 = arith.subf %neg3A_134, %sub3A_129 : vector<16xf32>
    %select_n3A_136 = arith.select %lt3A_132, %neg3A_135, %sub3A_129 : vector<16xi1>, vector<16xf32>
    %exp3A_137 = math.exp %select_n3A_136 : vector<16xf32>
    %swap3A_138 = arith.constant 32 : index
    %swap3A_139 = tpu.vector_load %arg10[%swap3A_138] {strides = array<i32>} : memref<256xf32, #tpu.memory_space<vmem>>, vector<16xf32>,
    tpu.vector_store %arg10[%swap3A_138], %exp3A_137 {strides = array<i32>} : memref<256xf32, #tpu.memory_space<vmem>>, vector<16xf32>,
    %add3A_140 = arith.addf %add3A_111, %exp3A_137 : vector<16xf32>
    %get3A_141 = arith.constant 48 : index
    %get3A_142 = tpu.vector_load %arg9[%get3A_141] {strides = array<i32>} : memref<256xi32, #tpu.memory_space<vmem>>, vector<16xi32>,
    %gather3A_143 = tpu.vector_load_idx %arg7[%get3A_142] : memref<2048xf32, #tpu.memory_space<vmem>>[vector<16xi32>], vector<16xf32>,
    %get3A_144 = arith.constant 48 : index
    %get3A_145 = tpu.vector_load %arg8[%get3A_144] {strides = array<i32>} : memref<256xf32, #tpu.memory_space<vmem>>, vector<16xf32>,
    %add3A_146 = arith.addf %gather3A_143, %get3A_145 : vector<16xf32>
    %abs3A_147 = math.absf %add3A_146 : vector<16xf32>
    %add3A_148 = arith.addf %abs3A_147, %abs3A_147 : vector<16xf32>
    %exp3A_149 = math.exp %add3A_148 : vector<16xf32>
    %add3A_150 = arith.constant 1.000000e+00 : f32
    %add3A_151 = vector.broadcast %add3A_150 : f32 to vector<16xf32>
    %add3A_152 = arith.addf %exp3A_149, %add3A_151 : vector<16xf32>
    %div3A_153 = arith.constant 2.000000e+00 : f32
    %div3A_154 = vector.broadcast %div3A_153 : f32 to vector<16xf32>
    %div3A_155 = arith.divf %div3A_154, %add3A_152 : vector<16xf32>
    %sub3A_156 = arith.constant 1.000000e+00 : f32
    %sub3A_157 = vector.broadcast %sub3A_156 : f32 to vector<16xf32>
    %sub3A_158 = arith.subf %sub3A_157, %div3A_155 : vector<16xf32>
    %lt3A_159 = arith.constant 0.000000e+00 : f32
    %lt3A_160 = vector.broadcast %lt3A_159 : f32 to vector<16xf32>
    %lt3A_161 = arith.cmpf olt, %add3A_146, %lt3A_160 : vector<16xf32>
    %neg3A_162 = arith.constant 0.000000e+00 : f32
    %neg3A_163 = vector.broadcast %neg3A_162 : f32 to vector<16xf32>
    %neg3A_164 = arith.subf %neg3A_163, %sub3A_158 : vector<16xf32>
    %select_n3A_165 = arith.select %lt3A_161, %neg3A_164, %sub3A_158 : vector<16xi1>, vector<16xf32>
    %exp3A_166 = math.exp %select_n3A_165 : vector<16xf32>
    %swap3A_167 = arith.constant 48 : index
    %swap3A_168 = tpu.vector_load %arg10[%swap3A_167] {strides = array<i32>} : memref<256xf32, #tpu.memory_space<vmem>>, vector<16xf32>,
    tpu.vector_store %arg10[%swap3A_167], %exp3A_166 {strides = array<i32>} : memref<256xf32, #tpu.memory_space<vmem>>, vector<16xf32>,
    %add3A_169 = arith.addf %add3A_140, %exp3A_166 : vector<16xf32>
    %get3A_170 = arith.constant 64 : index
    %get3A_171 = tpu.vector_load %arg9[%get3A_170] {strides = array<i32>} : memref<256xi32, #tpu.memory_space<vmem>>, vector<16xi32>,
    %gather3A_172 = tpu.vector_load_idx %arg7[%get3A_171] : memref<2048xf32, #tpu.memory_space<vmem>>[vector<16xi32>], vector<16xf32>,
    %get3A_173 = arith.constant 64 : index
    %get3A_174 = tpu.vector_load %arg8[%get3A_173] {strides = array<i32>} : memref<256xf32, #tpu.memory_space<vmem>>, vector<16xf32>,
    %add3A_175 = arith.addf %gather3A_172, %get3A_174 : vector<16xf32>
    %abs3A_176 = math.absf %add3A_175 : vector<16xf32>
    %add3A_177 = arith.addf %abs3A_176, %abs3A_176 : vector<16xf32>
    %exp3A_178 = math.exp %add3A_177 : vector<16xf32>
    %add3A_179 = arith.constant 1.000000e+00 : f32
    %add3A_180 = vector.broadcast %add3A_179 : f32 to vector<16xf32>
    %add3A_181 = arith.addf %exp3A_178, %add3A_180 : vector<16xf32>
    %div3A_182 = arith.constant 2.000000e+00 : f32
    %div3A_183 = vector.broadcast %div3A_182 : f32 to vector<16xf32>
    %div3A_184 = arith.divf %div3A_183, %add3A_181 : vector<16xf32>
    %sub3A_185 = arith.constant 1.000000e+00 : f32
    %sub3A_186 = vector.broadcast %sub3A_185 : f32 to vector<16xf32>
    %sub3A_187 = arith.subf %sub3A_186, %div3A_184 : vector<16xf32>
    %lt3A_188 = arith.constant 0.000000e+00 : f32
    %lt3A_189 = vector.broadcast %lt3A_188 : f32 to vector<16xf32>
    %lt3A_190 = arith.cmpf olt, %add3A_175, %lt3A_189 : vector<16xf32>
    %neg3A_191 = arith.constant 0.000000e+00 : f32
    %neg3A_192 = vector.broadcast %neg3A_191 : f32 to vector<16xf32>
    %neg3A_193 = arith.subf %neg3A_192, %sub3A_187 : vector<16xf32>
    %select_n3A_194 = arith.select %lt3A_190, %neg3A_193, %sub3A_187 : vector<16xi1>, vector<16xf32>
    %exp3A_195 = math.exp %select_n3A_194 : vector<16xf32>
    %swap3A_196 = arith.constant 64 : index
    %swap3A_197 = tpu.vector_load %arg10[%swap3A_196] {strides = array<i32>} : memref<256xf32, #tpu.memory_space<vmem>>, vector<16xf32>,
    tpu.vector_store %arg10[%swap3A_196], %exp3A_195 {strides = array<i32>} : memref<256xf32, #tpu.memory_space<vmem>>, vector<16xf32>,
    %add3A_198 = arith.addf %add3A_169, %exp3A_195 : vector<16xf32>
    %get3A_199 = arith.constant 80 : index
    %get3A_200 = tpu.vector_load %arg9[%get3A_199] {strides = array<i32>} : memref<256xi32, #tpu.memory_space<vmem>>, vector<16xi32>,
    %gather3A_201 = tpu.vector_load_idx %arg7[%get3A_200] : memref<2048xf32, #tpu.memory_space<vmem>>[vector<16xi32>], vector<16xf32>,
    %get3A_202 = arith.constant 80 : index
    %get3A_203 = tpu.vector_load %arg8[%get3A_202] {strides = array<i32>} : memref<256xf32, #tpu.memory_space<vmem>>, vector<16xf32>,
    %add3A_204 = arith.addf %gather3A_201, %get3A_203 : vector<16xf32>
    %abs3A_205 = math.absf %add3A_204 : vector<16xf32>
    %add3A_206 = arith.addf %abs3A_205, %abs3A_205 : vector<16xf32>
    %exp3A_207 = math.exp %add3A_206 : vector<16xf32>
    %add3A_208 = arith.constant 1.000000e+00 : f32
    %add3A_209 = vector.broadcast %add3A_208 : f32 to vector<16xf32>
    %add3A_210 = arith.addf %exp3A_207, %add3A_209 : vector<16xf32>
    %div3A_211 = arith.constant 2.000000e+00 : f32
    %div3A_212 = vector.broadcast %div3A_211 : f32 to vector<16xf32>
    %div3A_213 = arith.divf %div3A_212, %add3A_210 : vector<16xf32>
    %sub3A_214 = arith.constant 1.000000e+00 : f32
    %sub3A_215 = vector.broadcast %sub3A_214 : f32 to vector<16xf32>
    %sub3A_216 = arith.subf %sub3A_215, %div3A_213 : vector<16xf32>
    %lt3A_217 = arith.constant 0.000000e+00 : f32
    %lt3A_218 = vector.broadcast %lt3A_217 : f32 to vector<16xf32>
    %lt3A_219 = arith.cmpf olt, %add3A_204, %lt3A_218 : vector<16xf32>
    %neg3A_220 = arith.constant 0.000000e+00 : f32
    %neg3A_221 = vector.broadcast %neg3A_220 : f32 to vector<16xf32>
    %neg3A_222 = arith.subf %neg3A_221, %sub3A_216 : vector<16xf32>
    %select_n3A_223 = arith.select %lt3A_219, %neg3A_222, %sub3A_216 : vector<16xi1>, vector<16xf32>
    %exp3A_224 = math.exp %select_n3A_223 : vector<16xf32>
    %swap3A_225 = arith.constant 80 : index
    %swap3A_226 = tpu.vector_load %arg10[%swap3A_225] {strides = array<i32>} : memref<256xf32, #tpu.memory_space<vmem>>, vector<16xf32>,
    tpu.vector_store %arg10[%swap3A_225], %exp3A_224 {strides = array<i32>} : memref<256xf32, #tpu.memory_space<vmem>>, vector<16xf32>,
    %add3A_227 = arith.addf %add3A_198, %exp3A_224 : vector<16xf32>
    %get3A_228 = arith.constant 96 : index
    %get3A_229 = tpu.vector_load %arg9[%get3A_228] {strides = array<i32>} : memref<256xi32, #tpu.memory_space<vmem>>, vector<16xi32>,
    %gather3A_230 = tpu.vector_load_idx %arg7[%get3A_229] : memref<2048xf32, #tpu.memory_space<vmem>>[vector<16xi32>], vector<16xf32>,
    %get3A_231 = arith.constant 96 : index
    %get3A_232 = tpu.vector_load %arg8[%get3A_231] {strides = array<i32>} : memref<256xf32, #tpu.memory_space<vmem>>, vector<16xf32>,
    %add3A_233 = arith.addf %gather3A_230, %get3A_232 : vector<16xf32>
    %abs3A_234 = math.absf %add3A_233 : vector<16xf32>
    %add3A_235 = arith.addf %abs3A_234, %abs3A_234 : vector<16xf32>
    %exp3A_236 = math.exp %add3A_235 : vector<16xf32>
    %add3A_237 = arith.constant 1.000000e+00 : f32
    %add3A_238 = vector.broadcast %add3A_237 : f32 to vector<16xf32>
    %add3A_239 = arith.addf %exp3A_236, %add3A_238 : vector<16xf32>
    %div3A_240 = arith.constant 2.000000e+00 : f32
    %div3A_241 = vector.broadcast %div3A_240 : f32 to vector<16xf32>
    %div3A_242 = arith.divf %div3A_241, %add3A_239 : vector<16xf32>
    %sub3A_243 = arith.constant 1.000000e+00 : f32
    %sub3A_244 = vector.broadcast %sub3A_243 : f32 to vector<16xf32>
    %sub3A_245 = arith.subf %sub3A_244, %div3A_242 : vector<16xf32>
    %lt3A_246 = arith.constant 0.000000e+00 : f32
    %lt3A_247 = vector.broadcast %lt3A_246 : f32 to vector<16xf32>
    %lt3A_248 = arith.cmpf olt, %add3A_233, %lt3A_247 : vector<16xf32>
    %neg3A_249 = arith.constant 0.000000e+00 : f32
    %neg3A_250 = vector.broadcast %neg3A_249 : f32 to vector<16xf32>
    %neg3A_251 = arith.subf %neg3A_250, %sub3A_245 : vector<16xf32>
    %select_n3A_252 = arith.select %lt3A_248, %neg3A_251, %sub3A_245 : vector<16xi1>, vector<16xf32>
    %exp3A_253 = math.exp %select_n3A_252 : vector<16xf32>
    %swap3A_254 = arith.constant 96 : index
    %swap3A_255 = tpu.vector_load %arg10[%swap3A_254] {strides = array<i32>} : memref<256xf32, #tpu.memory_space<vmem>>, vector<16xf32>,
    tpu.vector_store %arg10[%swap3A_254], %exp3A_253 {strides = array<i32>} : memref<256xf32, #tpu.memory_space<vmem>>, vector<16xf32>,
    %add3A_256 = arith.addf %add3A_227, %exp3A_253 : vector<16xf32>
    %get3A_257 = arith.constant 112 : index
    %get3A_258 = tpu.vector_load %arg9[%get3A_257] {strides = array<i32>} : memref<256xi32, #tpu.memory_space<vmem>>, vector<16xi32>,
    %gather3A_259 = tpu.vector_load_idx %arg7[%get3A_258] : memref<2048xf32, #tpu.memory_space<vmem>>[vector<16xi32>], vector<16xf32>,
    %get3A_260 = arith.constant 112 : index
    %get3A_261 = tpu.vector_load %arg8[%get3A_260] {strides = array<i32>} : memref<256xf32, #tpu.memory_space<vmem>>, vector<16xf32>,
    %add3A_262 = arith.addf %gather3A_259, %get3A_261 : vector<16xf32>
    %abs3A_263 = math.absf %add3A_262 : vector<16xf32>
    %add3A_264 = arith.addf %abs3A_263, %abs3A_263 : vector<16xf32>
    %exp3A_265 = math.exp %add3A_264 : vector<16xf32>
    %add3A_266 = arith.constant 1.000000e+00 : f32
    %add3A_267 = vector.broadcast %add3A_266 : f32 to vector<16xf32>
    %add3A_268 = arith.addf %exp3A_265, %add3A_267 : vector<16xf32>
    %div3A_269 = arith.constant 2.000000e+00 : f32
    %div3A_270 = vector.broadcast %div3A_269 : f32 to vector<16xf32>
    %div3A_271 = arith.divf %div3A_270, %add3A_268 : vector<16xf32>
    %sub3A_272 = arith.constant 1.000000e+00 : f32
    %sub3A_273 = vector.broadcast %sub3A_272 : f32 to vector<16xf32>
    %sub3A_274 = arith.subf %sub3A_273, %div3A_271 : vector<16xf32>
    %lt3A_275 = arith.constant 0.000000e+00 : f32
    %lt3A_276 = vector.broadcast %lt3A_275 : f32 to vector<16xf32>
    %lt3A_277 = arith.cmpf olt, %add3A_262, %lt3A_276 : vector<16xf32>
    %neg3A_278 = arith.constant 0.000000e+00 : f32
    %neg3A_279 = vector.broadcast %neg3A_278 : f32 to vector<16xf32>
    %neg3A_280 = arith.subf %neg3A_279, %sub3A_274 : vector<16xf32>
    %select_n3A_281 = arith.select %lt3A_277, %neg3A_280, %sub3A_274 : vector<16xi1>, vector<16xf32>
    %exp3A_282 = math.exp %select_n3A_281 : vector<16xf32>
    %swap3A_283 = arith.constant 112 : index
    %swap3A_284 = tpu.vector_load %arg10[%swap3A_283] {strides = array<i32>} : memref<256xf32, #tpu.memory_space<vmem>>, vector<16xf32>,
    tpu.vector_store %arg10[%swap3A_283], %exp3A_282 {strides = array<i32>} : memref<256xf32, #tpu.memory_space<vmem>>, vector<16xf32>,
    %add3A_285 = arith.addf %add3A_256, %exp3A_282 : vector<16xf32>
    %get3A_286 = arith.constant 128 : index
    %get3A_287 = tpu.vector_load %arg9[%get3A_286] {strides = array<i32>} : memref<256xi32, #tpu.memory_space<vmem>>, vector<16xi32>,
    %gather3A_288 = tpu.vector_load_idx %arg7[%get3A_287] : memref<2048xf32, #tpu.memory_space<vmem>>[vector<16xi32>], vector<16xf32>,
    %get3A_289 = arith.constant 128 : index
    %get3A_290 = tpu.vector_load %arg8[%get3A_289] {strides = array<i32>} : memref<256xf32, #tpu.memory_space<vmem>>, vector<16xf32>,
    %add3A_291 = arith.addf %gather3A_288, %get3A_290 : vector<16xf32>
    %abs3A_292 = math.absf %add3A_291 : vector<16xf32>
    %add3A_293 = arith.addf %abs3A_292, %abs3A_292 : vector<16xf32>
    %exp3A_294 = math.exp %add3A_293 : vector<16xf32>
    %add3A_295 = arith.constant 1.000000e+00 : f32
    %add3A_296 = vector.broadcast %add3A_295 : f32 to vector<16xf32>
    %add3A_297 = arith.addf %exp3A_294, %add3A_296 : vector<16xf32>
    %div3A_298 = arith.constant 2.000000e+00 : f32
    %div3A_299 = vector.broadcast %div3A_298 : f32 to vector<16xf32>
    %div3A_300 = arith.divf %div3A_299, %add3A_297 : vector<16xf32>
    %sub3A_301 = arith.constant 1.000000e+00 : f32
    %sub3A_302 = vector.broadcast %sub3A_301 : f32 to vector<16xf32>
    %sub3A_303 = arith.subf %sub3A_302, %div3A_300 : vector<16xf32>
    %lt3A_304 = arith.constant 0.000000e+00 : f32
    %lt3A_305 = vector.broadcast %lt3A_304 : f32 to vector<16xf32>
    %lt3A_306 = arith.cmpf olt, %add3A_291, %lt3A_305 : vector<16xf32>
    %neg3A_307 = arith.constant 0.000000e+00 : f32
    %neg3A_308 = vector.broadcast %neg3A_307 : f32 to vector<16xf32>
    %neg3A_309 = arith.subf %neg3A_308, %sub3A_303 : vector<16xf32>
    %select_n3A_310 = arith.select %lt3A_306, %neg3A_309, %sub3A_303 : vector<16xi1>, vector<16xf32>
    %exp3A_311 = math.exp %select_n3A_310 : vector<16xf32>
    %swap3A_312 = arith.constant 128 : index
    %swap3A_313 = tpu.vector_load %arg10[%swap3A_312] {strides = array<i32>} : memref<256xf32, #tpu.memory_space<vmem>>, vector<16xf32>,
    tpu.vector_store %arg10[%swap3A_312], %exp3A_311 {strides = array<i32>} : memref<256xf32, #tpu.memory_space<vmem>>, vector<16xf32>,
    %add3A_314 = arith.addf %add3A_285, %exp3A_311 : vector<16xf32>
    %get3A_315 = arith.constant 144 : index
    %get3A_316 = tpu.vector_load %arg9[%get3A_315] {strides = array<i32>} : memref<256xi32, #tpu.memory_space<vmem>>, vector<16xi32>,
    %gather3A_317 = tpu.vector_load_idx %arg7[%get3A_316] : memref<2048xf32, #tpu.memory_space<vmem>>[vector<16xi32>], vector<16xf32>,
    %get3A_318 = arith.constant 144 : index
    %get3A_319 = tpu.vector_load %arg8[%get3A_318] {strides = array<i32>} : memref<256xf32, #tpu.memory_space<vmem>>, vector<16xf32>,
    %add3A_320 = arith.addf %gather3A_317, %get3A_319 : vector<16xf32>
    %abs3A_321 = math.absf %add3A_320 : vector<16xf32>
    %add3A_322 = arith.addf %abs3A_321, %abs3A_321 : vector<16xf32>
    %exp3A_323 = math.exp %add3A_322 : vector<16xf32>
    %add3A_324 = arith.constant 1.000000e+00 : f32
    %add3A_325 = vector.broadcast %add3A_324 : f32 to vector<16xf32>
    %add3A_326 = arith.addf %exp3A_323, %add3A_325 : vector<16xf32>
    %div3A_327 = arith.constant 2.000000e+00 : f32
    %div3A_328 = vector.broadcast %div3A_327 : f32 to vector<16xf32>
    %div3A_329 = arith.divf %div3A_328, %add3A_326 : vector<16xf32>
    %sub3A_330 = arith.constant 1.000000e+00 : f32
    %sub3A_331 = vector.broadcast %sub3A_330 : f32 to vector<16xf32>
    %sub3A_332 = arith.subf %sub3A_331, %div3A_329 : vector<16xf32>
    %lt3A_333 = arith.constant 0.000000e+00 : f32
    %lt3A_334 = vector.broadcast %lt3A_333 : f32 to vector<16xf32>
    %lt3A_335 = arith.cmpf olt, %add3A_320, %lt3A_334 : vector<16xf32>
    %neg3A_336 = arith.constant 0.000000e+00 : f32
    %neg3A_337 = vector.broadcast %neg3A_336 : f32 to vector<16xf32>
    %neg3A_338 = arith.subf %neg3A_337, %sub3A_332 : vector<16xf32>
    %select_n3A_339 = arith.select %lt3A_335, %neg3A_338, %sub3A_332 : vector<16xi1>, vector<16xf32>
    %exp3A_340 = math.exp %select_n3A_339 : vector<16xf32>
    %swap3A_341 = arith.constant 144 : index
    %swap3A_342 = tpu.vector_load %arg10[%swap3A_341] {strides = array<i32>} : memref<256xf32, #tpu.memory_space<vmem>>, vector<16xf32>,
    tpu.vector_store %arg10[%swap3A_341], %exp3A_340 {strides = array<i32>} : memref<256xf32, #tpu.memory_space<vmem>>, vector<16xf32>,
    %add3A_343 = arith.addf %add3A_314, %exp3A_340 : vector<16xf32>
    %get3A_344 = arith.constant 160 : index
    %get3A_345 = tpu.vector_load %arg9[%get3A_344] {strides = array<i32>} : memref<256xi32, #tpu.memory_space<vmem>>, vector<16xi32>,
    %gather3A_346 = tpu.vector_load_idx %arg7[%get3A_345] : memref<2048xf32, #tpu.memory_space<vmem>>[vector<16xi32>], vector<16xf32>,
    %get3A_347 = arith.constant 160 : index
    %get3A_348 = tpu.vector_load %arg8[%get3A_347] {strides = array<i32>} : memref<256xf32, #tpu.memory_space<vmem>>, vector<16xf32>,
    %add3A_349 = arith.addf %gather3A_346, %get3A_348 : vector<16xf32>
    %abs3A_350 = math.absf %add3A_349 : vector<16xf32>
    %add3A_351 = arith.addf %abs3A_350, %abs3A_350 : vector<16xf32>
    %exp3A_352 = math.exp %add3A_351 : vector<16xf32>
    %add3A_353 = arith.constant 1.000000e+00 : f32
    %add3A_354 = vector.broadcast %add3A_353 : f32 to vector<16xf32>
    %add3A_355 = arith.addf %exp3A_352, %add3A_354 : vector<16xf32>
    %div3A_356 = arith.constant 2.000000e+00 : f32
    %div3A_357 = vector.broadcast %div3A_356 : f32 to vector<16xf32>
    %div3A_358 = arith.divf %div3A_357, %add3A_355 : vector<16xf32>
    %sub3A_359 = arith.constant 1.000000e+00 : f32
    %sub3A_360 = vector.broadcast %sub3A_359 : f32 to vector<16xf32>
    %sub3A_361 = arith.subf %sub3A_360, %div3A_358 : vector<16xf32>
    %lt3A_362 = arith.constant 0.000000e+00 : f32
    %lt3A_363 = vector.broadcast %lt3A_362 : f32 to vector<16xf32>
    %lt3A_364 = arith.cmpf olt, %add3A_349, %lt3A_363 : vector<16xf32>
    %neg3A_365 = arith.constant 0.000000e+00 : f32
    %neg3A_366 = vector.broadcast %neg3A_365 : f32 to vector<16xf32>
    %neg3A_367 = arith.subf %neg3A_366, %sub3A_361 : vector<16xf32>
    %select_n3A_368 = arith.select %lt3A_364, %neg3A_367, %sub3A_361 : vector<16xi1>, vector<16xf32>
    %exp3A_369 = math.exp %select_n3A_368 : vector<16xf32>
    %swap3A_370 = arith.constant 160 : index
    %swap3A_371 = tpu.vector_load %arg10[%swap3A_370] {strides = array<i32>} : memref<256xf32, #tpu.memory_space<vmem>>, vector<16xf32>,
    tpu.vector_store %arg10[%swap3A_370], %exp3A_369 {strides = array<i32>} : memref<256xf32, #tpu.memory_space<vmem>>, vector<16xf32>,
    %add3A_372 = arith.addf %add3A_343, %exp3A_369 : vector<16xf32>
    %get3A_373 = arith.constant 176 : index
    %get3A_374 = tpu.vector_load %arg9[%get3A_373] {strides = array<i32>} : memref<256xi32, #tpu.memory_space<vmem>>, vector<16xi32>,
    %gather3A_375 = tpu.vector_load_idx %arg7[%get3A_374] : memref<2048xf32, #tpu.memory_space<vmem>>[vector<16xi32>], vector<16xf32>,
    %get3A_376 = arith.constant 176 : index
    %get3A_377 = tpu.vector_load %arg8[%get3A_376] {strides = array<i32>} : memref<256xf32, #tpu.memory_space<vmem>>, vector<16xf32>,
    %add3A_378 = arith.addf %gather3A_375, %get3A_377 : vector<16xf32>
    %abs3A_379 = math.absf %add3A_378 : vector<16xf32>
    %add3A_380 = arith.addf %abs3A_379, %abs3A_379 : vector<16xf32>
    %exp3A_381 = math.exp %add3A_380 : vector<16xf32>
    %add3A_382 = arith.constant 1.000000e+00 : f32
    %add3A_383 = vector.broadcast %add3A_382 : f32 to vector<16xf32>
    %add3A_384 = arith.addf %exp3A_381, %add3A_383 : vector<16xf32>
    %div3A_385 = arith.constant 2.000000e+00 : f32
    %div3A_386 = vector.broadcast %div3A_385 : f32 to vector<16xf32>
    %div3A_387 = arith.divf %div3A_386, %add3A_384 : vector<16xf32>
    %sub3A_388 = arith.constant 1.000000e+00 : f32
    %sub3A_389 = vector.broadcast %sub3A_388 : f32 to vector<16xf32>
    %sub3A_390 = arith.subf %sub3A_389, %div3A_387 : vector<16xf32>
    %lt3A_391 = arith.constant 0.000000e+00 : f32
    %lt3A_392 = vector.broadcast %lt3A_391 : f32 to vector<16xf32>
    %lt3A_393 = arith.cmpf olt, %add3A_378, %lt3A_392 : vector<16xf32>
    %neg3A_394 = arith.constant 0.000000e+00 : f32
    %neg3A_395 = vector.broadcast %neg3A_394 : f32 to vector<16xf32>
    %neg3A_396 = arith.subf %neg3A_395, %sub3A_390 : vector<16xf32>
    %select_n3A_397 = arith.select %lt3A_393, %neg3A_396, %sub3A_390 : vector<16xi1>, vector<16xf32>
    %exp3A_398 = math.exp %select_n3A_397 : vector<16xf32>
    %swap3A_399 = arith.constant 176 : index
    %swap3A_400 = tpu.vector_load %arg10[%swap3A_399] {strides = array<i32>} : memref<256xf32, #tpu.memory_space<vmem>>, vector<16xf32>,
    tpu.vector_store %arg10[%swap3A_399], %exp3A_398 {strides = array<i32>} : memref<256xf32, #tpu.memory_space<vmem>>, vector<16xf32>,
    %add3A_401 = arith.addf %add3A_372, %exp3A_398 : vector<16xf32>
    %get3A_402 = arith.constant 192 : index
    %get3A_403 = tpu.vector_load %arg9[%get3A_402] {strides = array<i32>} : memref<256xi32, #tpu.memory_space<vmem>>, vector<16xi32>,
    %gather3A_404 = tpu.vector_load_idx %arg7[%get3A_403] : memref<2048xf32, #tpu.memory_space<vmem>>[vector<16xi32>], vector<16xf32>,
    %get3A_405 = arith.constant 192 : index
    %get3A_406 = tpu.vector_load %arg8[%get3A_405] {strides = array<i32>} : memref<256xf32, #tpu.memory_space<vmem>>, vector<16xf32>,
    %add3A_407 = arith.addf %gather3A_404, %get3A_406 : vector<16xf32>
    %abs3A_408 = math.absf %add3A_407 : vector<16xf32>
    %add3A_409 = arith.addf %abs3A_408, %abs3A_408 : vector<16xf32>
    %exp3A_410 = math.exp %add3A_409 : vector<16xf32>
    %add3A_411 = arith.constant 1.000000e+00 : f32
    %add3A_412 = vector.broadcast %add3A_411 : f32 to vector<16xf32>
    %add3A_413 = arith.addf %exp3A_410, %add3A_412 : vector<16xf32>
    %div3A_414 = arith.constant 2.000000e+00 : f32
    %div3A_415 = vector.broadcast %div3A_414 : f32 to vector<16xf32>
    %div3A_416 = arith.divf %div3A_415, %add3A_413 : vector<16xf32>
    %sub3A_417 = arith.constant 1.000000e+00 : f32
    %sub3A_418 = vector.broadcast %sub3A_417 : f32 to vector<16xf32>
    %sub3A_419 = arith.subf %sub3A_418, %div3A_416 : vector<16xf32>
    %lt3A_420 = arith.constant 0.000000e+00 : f32
    %lt3A_421 = vector.broadcast %lt3A_420 : f32 to vector<16xf32>
    %lt3A_422 = arith.cmpf olt, %add3A_407, %lt3A_421 : vector<16xf32>
    %neg3A_423 = arith.constant 0.000000e+00 : f32
    %neg3A_424 = vector.broadcast %neg3A_423 : f32 to vector<16xf32>
    %neg3A_425 = arith.subf %neg3A_424, %sub3A_419 : vector<16xf32>
    %select_n3A_426 = arith.select %lt3A_422, %neg3A_425, %sub3A_419 : vector<16xi1>, vector<16xf32>
    %exp3A_427 = math.exp %select_n3A_426 : vector<16xf32>
    %swap3A_428 = arith.constant 192 : index
    %swap3A_429 = tpu.vector_load %arg10[%swap3A_428] {strides = array<i32>} : memref<256xf32, #tpu.memory_space<vmem>>, vector<16xf32>,
    tpu.vector_store %arg10[%swap3A_428], %exp3A_427 {strides = array<i32>} : memref<256xf32, #tpu.memory_space<vmem>>, vector<16xf32>,
    %add3A_430 = arith.addf %add3A_401, %exp3A_427 : vector<16xf32>
    %get3A_431 = arith.constant 208 : index
    %get3A_432 = tpu.vector_load %arg9[%get3A_431] {strides = array<i32>} : memref<256xi32, #tpu.memory_space<vmem>>, vector<16xi32>,
    %gather3A_433 = tpu.vector_load_idx %arg7[%get3A_432] : memref<2048xf32, #tpu.memory_space<vmem>>[vector<16xi32>], vector<16xf32>,
    %get3A_434 = arith.constant 208 : index
    %get3A_435 = tpu.vector_load %arg8[%get3A_434] {strides = array<i32>} : memref<256xf32, #tpu.memory_space<vmem>>, vector<16xf32>,
    %add3A_436 = arith.addf %gather3A_433, %get3A_435 : vector<16xf32>
    %abs3A_437 = math.absf %add3A_436 : vector<16xf32>
    %add3A_438 = arith.addf %abs3A_437, %abs3A_437 : vector<16xf32>
    %exp3A_439 = math.exp %add3A_438 : vector<16xf32>
    %add3A_440 = arith.constant 1.000000e+00 : f32
    %add3A_441 = vector.broadcast %add3A_440 : f32 to vector<16xf32>
    %add3A_442 = arith.addf %exp3A_439, %add3A_441 : vector<16xf32>
    %div3A_443 = arith.constant 2.000000e+00 : f32
    %div3A_444 = vector.broadcast %div3A_443 : f32 to vector<16xf32>
    %div3A_445 = arith.divf %div3A_444, %add3A_442 : vector<16xf32>
    %sub3A_446 = arith.constant 1.000000e+00 : f32
    %sub3A_447 = vector.broadcast %sub3A_446 : f32 to vector<16xf32>
    %sub3A_448 = arith.subf %sub3A_447, %div3A_445 : vector<16xf32>
    %lt3A_449 = arith.constant 0.000000e+00 : f32
    %lt3A_450 = vector.broadcast %lt3A_449 : f32 to vector<16xf32>
    %lt3A_451 = arith.cmpf olt, %add3A_436, %lt3A_450 : vector<16xf32>
    %neg3A_452 = arith.constant 0.000000e+00 : f32
    %neg3A_453 = vector.broadcast %neg3A_452 : f32 to vector<16xf32>
    %neg3A_454 = arith.subf %neg3A_453, %sub3A_448 : vector<16xf32>
    %select_n3A_455 = arith.select %lt3A_451, %neg3A_454, %sub3A_448 : vector<16xi1>, vector<16xf32>
    %exp3A_456 = math.exp %select_n3A_455 : vector<16xf32>
    %swap3A_457 = arith.constant 208 : index
    %swap3A_458 = tpu.vector_load %arg10[%swap3A_457] {strides = array<i32>} : memref<256xf32, #tpu.memory_space<vmem>>, vector<16xf32>,
    tpu.vector_store %arg10[%swap3A_457], %exp3A_456 {strides = array<i32>} : memref<256xf32, #tpu.memory_space<vmem>>, vector<16xf32>,
    %add3A_459 = arith.addf %add3A_430, %exp3A_456 : vector<16xf32>
    %get3A_460 = arith.constant 224 : index
    %get3A_461 = tpu.vector_load %arg9[%get3A_460] {strides = array<i32>} : memref<256xi32, #tpu.memory_space<vmem>>, vector<16xi32>,
    %gather3A_462 = tpu.vector_load_idx %arg7[%get3A_461] : memref<2048xf32, #tpu.memory_space<vmem>>[vector<16xi32>], vector<16xf32>,
    %get3A_463 = arith.constant 224 : index
    %get3A_464 = tpu.vector_load %arg8[%get3A_463] {strides = array<i32>} : memref<256xf32, #tpu.memory_space<vmem>>, vector<16xf32>,
    %add3A_465 = arith.addf %gather3A_462, %get3A_464 : vector<16xf32>
    %abs3A_466 = math.absf %add3A_465 : vector<16xf32>
    %add3A_467 = arith.addf %abs3A_466, %abs3A_466 : vector<16xf32>
    %exp3A_468 = math.exp %add3A_467 : vector<16xf32>
    %add3A_469 = arith.constant 1.000000e+00 : f32
    %add3A_470 = vector.broadcast %add3A_469 : f32 to vector<16xf32>
    %add3A_471 = arith.addf %exp3A_468, %add3A_470 : vector<16xf32>
    %div3A_472 = arith.constant 2.000000e+00 : f32
    %div3A_473 = vector.broadcast %div3A_472 : f32 to vector<16xf32>
    %div3A_474 = arith.divf %div3A_473, %add3A_471 : vector<16xf32>
    %sub3A_475 = arith.constant 1.000000e+00 : f32
    %sub3A_476 = vector.broadcast %sub3A_475 : f32 to vector<16xf32>
    %sub3A_477 = arith.subf %sub3A_476, %div3A_474 : vector<16xf32>
    %lt3A_478 = arith.constant 0.000000e+00 : f32
    %lt3A_479 = vector.broadcast %lt3A_478 : f32 to vector<16xf32>
    %lt3A_480 = arith.cmpf olt, %add3A_465, %lt3A_479 : vector<16xf32>
    %neg3A_481 = arith.constant 0.000000e+00 : f32
    %neg3A_482 = vector.broadcast %neg3A_481 : f32 to vector<16xf32>
    %neg3A_483 = arith.subf %neg3A_482, %sub3A_477 : vector<16xf32>
    %select_n3A_484 = arith.select %lt3A_480, %neg3A_483, %sub3A_477 : vector<16xi1>, vector<16xf32>
    %exp3A_485 = math.exp %select_n3A_484 : vector<16xf32>
    %swap3A_486 = arith.constant 224 : index
    %swap3A_487 = tpu.vector_load %arg10[%swap3A_486] {strides = array<i32>} : memref<256xf32, #tpu.memory_space<vmem>>, vector<16xf32>,
    tpu.vector_store %arg10[%swap3A_486], %exp3A_485 {strides = array<i32>} : memref<256xf32, #tpu.memory_space<vmem>>, vector<16xf32>,
    %add3A_488 = arith.addf %add3A_459, %exp3A_485 : vector<16xf32>
    %get3A_489 = arith.constant 240 : index
    %get3A_490 = tpu.vector_load %arg9[%get3A_489] {strides = array<i32>} : memref<256xi32, #tpu.memory_space<vmem>>, vector<16xi32>,
    %gather3A_491 = tpu.vector_load_idx %arg7[%get3A_490] : memref<2048xf32, #tpu.memory_space<vmem>>[vector<16xi32>], vector<16xf32>,
    %get3A_492 = arith.constant 240 : index
    %get3A_493 = tpu.vector_load %arg8[%get3A_492] {strides = array<i32>} : memref<256xf32, #tpu.memory_space<vmem>>, vector<16xf32>,
    %add3A_494 = arith.addf %gather3A_491, %get3A_493 : vector<16xf32>
    %abs3A_495 = math.absf %add3A_494 : vector<16xf32>
    %add3A_496 = arith.addf %abs3A_495, %abs3A_495 : vector<16xf32>
    %exp3A_497 = math.exp %add3A_496 : vector<16xf32>
    %add3A_498 = arith.constant 1.000000e+00 : f32
    %add3A_499 = vector.broadcast %add3A_498 : f32 to vector<16xf32>
    %add3A_500 = arith.addf %exp3A_497, %add3A_499 : vector<16xf32>
    %div3A_501 = arith.constant 2.000000e+00 : f32
    %div3A_502 = vector.broadcast %div3A_501 : f32 to vector<16xf32>
    %div3A_503 = arith.divf %div3A_502, %add3A_500 : vector<16xf32>
    %sub3A_504 = arith.constant 1.000000e+00 : f32
    %sub3A_505 = vector.broadcast %sub3A_504 : f32 to vector<16xf32>
    %sub3A_506 = arith.subf %sub3A_505, %div3A_503 : vector<16xf32>
    %lt3A_507 = arith.constant 0.000000e+00 : f32
    %lt3A_508 = vector.broadcast %lt3A_507 : f32 to vector<16xf32>
    %lt3A_509 = arith.cmpf olt, %add3A_494, %lt3A_508 : vector<16xf32>
    %neg3A_510 = arith.constant 0.000000e+00 : f32
    %neg3A_511 = vector.broadcast %neg3A_510 : f32 to vector<16xf32>
    %neg3A_512 = arith.subf %neg3A_511, %sub3A_506 : vector<16xf32>
    %select_n3A_513 = arith.select %lt3A_509, %neg3A_512, %sub3A_506 : vector<16xi1>, vector<16xf32>
    %exp3A_514 = math.exp %select_n3A_513 : vector<16xf32>
    %swap3A_515 = arith.constant 240 : index
    %swap3A_516 = tpu.vector_load %arg10[%swap3A_515] {strides = array<i32>} : memref<256xf32, #tpu.memory_space<vmem>>, vector<16xf32>,
    tpu.vector_store %arg10[%swap3A_515], %exp3A_514 {strides = array<i32>} : memref<256xf32, #tpu.memory_space<vmem>>, vector<16xf32>,
    %add3A_517 = arith.addf %add3A_488, %exp3A_514 : vector<16xf32>
    %swap3A_518 = arith.constant 0 : index
    %swap3A_519 = tpu.vector_load %arg11[%swap3A_518] {strides = array<i32>} : memref<16xf32, #tpu.memory_space<vmem>>, vector<16xf32>,
    tpu.vector_store %arg11[%swap3A_518], %add3A_517 {strides = array<i32>} : memref<16xf32, #tpu.memory_space<vmem>>, vector<16xf32>,
    %mul3A_520 = arith.constant 16 : i32
    %mul3A_521 = arith.muli %arg0, %mul3A_520 : i32
    %add3A_522 = arith.addi %mul3A_521, %arg1 : i32
    "tpu.region"() ({
      %run_scoped3A = tpu.sem_alloc : memref<!tpu.dma_semaphore, #tpu.memory_space<semaphore_mem>>
      %dma_start3A_684 = arith.constant 0 : i32
      %dma_start3A_685 = tpu.memref_slice %arg6[%add3A_522, %dma_start3A_684] : memref<32x16xf32, #tpu.memory_space<hbm>> -> memref<1x16xf32, #tpu.memory_space<hbm>>
      %dma_start3A_686 = tpu.memref_squeeze %dma_start3A_685 : memref<1x16xf32, #tpu.memory_space<hbm>> -> memref<16xf32, #tpu.memory_space<hbm>>
      %dma_start3A_687 = arith.constant 0 : i32
      %dma_start3A_688 = tpu.memref_slice %arg6[%add3A_522, %dma_start3A_687] : memref<32x16xf32, #tpu.memory_space<hbm>> -> memref<1x16xf32, #tpu.memory_space<hbm>>
      %dma_start3A_689 = tpu.memref_squeeze %dma_start3A_688 : memref<1x16xf32, #tpu.memory_space<hbm>> -> memref<16xf32, #tpu.memory_space<hbm>>
      tpu.enqueue_dma source(%arg11 : memref<16xf32, #tpu.memory_space<vmem>>) target(%dma_start3A_689 : memref<16xf32, #tpu.memory_space<hbm>>) target_semaphore(%run_scoped3A : memref<!tpu.dma_semaphore, #tpu.memory_space<semaphore_mem>>)
      %dma_wait3A_690 = arith.constant 0 : i32
      %dma_wait3A_691 = tpu.memref_slice %arg6[%add3A_522, %dma_wait3A_690] : memref<32x16xf32, #tpu.memory_space<hbm>> -> memref<1x16xf32, #tpu.memory_space<hbm>>
      %dma_wait3A_692 = tpu.memref_squeeze %dma_wait3A_691 : memref<1x16xf32, #tpu.memory_space<hbm>> -> memref<16xf32, #tpu.memory_space<hbm>>
      %dma_wait3A_693 = arith.constant 0 : i32
      %dma_wait3A_694 = tpu.memref_slice %arg6[%add3A_522, %dma_wait3A_693] : memref<32x16xf32, #tpu.memory_space<hbm>> -> memref<1x16xf32, #tpu.memory_space<hbm>>
      %dma_wait3A_695 = tpu.memref_squeeze %dma_wait3A_694 : memref<1x16xf32, #tpu.memory_space<hbm>> -> memref<16xf32, #tpu.memory_space<hbm>>
      tpu.wait_dma2 semaphore(%run_scoped3A : memref<!tpu.dma_semaphore, #tpu.memory_space<semaphore_mem>>) src(%arg11 : memref<16xf32, #tpu.memory_space<vmem>>) dst(%dma_wait3A_695 : memref<16xf32, #tpu.memory_space<hbm>>)
      tpu.yield
    }) : () -> ()
    %barrier3A = arith.constant 0 : index
    tpu.barrier barrier_id(%barrier3A)
    %mul3A_523 = arith.constant 16 : i32
    %mul3A_524 = arith.muli %arg0, %mul3A_523 : i32
    %jit3A_525 = arith.constant 8 : i32
    %div3A_526 = arith.divsi %arg1, %jit3A_525 : i32
    %sign3A_527 = arith.constant 0 : i32
    %sign3A_528 = arith.cmpi sgt, %arg1, %sign3A_527 : i32
    %sign3A_529 = arith.extui %sign3A_528 : i1 to i32
    %sign3A_530 = arith.constant 0 : i32
    %sign3A_531 = arith.cmpi slt, %arg1, %sign3A_530 : i32
    %sign3A_532 = arith.extui %sign3A_531 : i1 to i32
    %sign3A_533 = arith.subi %sign3A_529, %sign3A_532 : i32
    %sign3A_534 = arith.constant 0 : i32
    %sign3A_535 = arith.cmpi sgt, %jit3A_525, %sign3A_534 : i32
    %sign3A_536 = arith.extui %sign3A_535 : i1 to i32
    %sign3A_537 = arith.constant 0 : i32
    %sign3A_538 = arith.cmpi slt, %jit3A_525, %sign3A_537 : i32
    %sign3A_539 = arith.extui %sign3A_538 : i1 to i32
    %sign3A_540 = arith.subi %sign3A_536, %sign3A_539 : i32
    %ne3A_541 = arith.cmpi ne, %sign3A_533, %sign3A_540 : i32
    %rem3A_542 = arith.remsi %arg1, %jit3A_525 : i32
    %ne3A_543 = arith.constant 0 : i32
    %ne3A_544 = arith.cmpi ne, %rem3A_542, %ne3A_543 : i32
    %and3A_545 = arith.andi %ne3A_541, %ne3A_544 : i1
    %sub3A_546 = arith.constant 1 : i32
    %sub3A_547 = arith.subi %div3A_526, %sub3A_546 : i32
    %select_n3A_548 = arith.select %and3A_545, %sub3A_547, %div3A_526 : i32
    %mul3A_549 = arith.constant 8 : i32
    %mul3A_550 = arith.muli %select_n3A_548, %mul3A_549 : i32
    %add3A_551 = arith.addi %mul3A_524, %mul3A_550 : i32
    "tpu.region"() ({
      %run_scoped3A = tpu.sem_alloc : memref<!tpu.dma_semaphore, #tpu.memory_space<semaphore_mem>>
      %dma_start3A_684 = arith.constant 0 : i32
      %dma_start3A_685 = tpu.memref_slice %arg6[%add3A_551, %dma_start3A_684] : memref<32x16xf32, #tpu.memory_space<hbm>> -> memref<8x16xf32, #tpu.memory_space<hbm>>
      %dma_start3A_686 = arith.constant 0 : i32
      %dma_start3A_687 = tpu.memref_slice %arg6[%add3A_551, %dma_start3A_686] : memref<32x16xf32, #tpu.memory_space<hbm>> -> memref<8x16xf32, #tpu.memory_space<hbm>>
      tpu.enqueue_dma source(%dma_start3A_687 : memref<8x16xf32, #tpu.memory_space<hbm>>) target(%arg12 : memref<8x16xf32, #tpu.memory_space<vmem>>) target_semaphore(%run_scoped3A : memref<!tpu.dma_semaphore, #tpu.memory_space<semaphore_mem>>)
      %dma_wait3A_688 = arith.constant 0 : i32
      %dma_wait3A_689 = tpu.memref_slice %arg6[%add3A_551, %dma_wait3A_688] : memref<32x16xf32, #tpu.memory_space<hbm>> -> memref<8x16xf32, #tpu.memory_space<hbm>>
      %dma_wait3A_690 = arith.constant 0 : i32
      %dma_wait3A_691 = tpu.memref_slice %arg6[%add3A_551, %dma_wait3A_690] : memref<32x16xf32, #tpu.memory_space<hbm>> -> memref<8x16xf32, #tpu.memory_space<hbm>>
      tpu.wait_dma2 semaphore(%run_scoped3A : memref<!tpu.dma_semaphore, #tpu.memory_space<semaphore_mem>>) src(%dma_wait3A_691 : memref<8x16xf32, #tpu.memory_space<hbm>>) dst(%arg12 : memref<8x16xf32, #tpu.memory_space<vmem>>)
      tpu.yield
    }) : () -> ()
    %broadcast_in_dim3A_552 = arith.constant 0.000000e+00 : f32
    %broadcast_in_dim3A_553 = vector.broadcast %broadcast_in_dim3A_552 : f32 to vector<16xf32>
    %get3A_554 = arith.constant 0 : i32
    %get3A_555 = arith.index_cast %get3A_554 : i32 to index
    %get3A_556 = arith.constant 0 : index
    %get3A_557 = tpu.vector_load %arg12[%get3A_555, %get3A_556] {strides = array<i32>} : memref<8x16xf32, #tpu.memory_space<vmem>>, vector<16xf32>,
    %add3A_558 = arith.addf %broadcast_in_dim3A_553, %get3A_557 : vector<16xf32>
    %get3A_559 = arith.constant 1 : i32
    %get3A_560 = arith.index_cast %get3A_559 : i32 to index
    %get3A_561 = arith.constant 0 : index
    %get3A_562 = tpu.vector_load %arg12[%get3A_560, %get3A_561] {strides = array<i32>} : memref<8x16xf32, #tpu.memory_space<vmem>>, vector<16xf32>,
    %add3A_563 = arith.addf %add3A_558, %get3A_562 : vector<16xf32>
    %get3A_564 = arith.constant 2 : i32
    %get3A_565 = arith.index_cast %get3A_564 : i32 to index
    %get3A_566 = arith.constant 0 : index
    %get3A_567 = tpu.vector_load %arg12[%get3A_565, %get3A_566] {strides = array<i32>} : memref<8x16xf32, #tpu.memory_space<vmem>>, vector<16xf32>,
    %add3A_568 = arith.addf %add3A_563, %get3A_567 : vector<16xf32>
    %get3A_569 = arith.constant 3 : i32
    %get3A_570 = arith.index_cast %get3A_569 : i32 to index
    %get3A_571 = arith.constant 0 : index
    %get3A_572 = tpu.vector_load %arg12[%get3A_570, %get3A_571] {strides = array<i32>} : memref<8x16xf32, #tpu.memory_space<vmem>>, vector<16xf32>,
    %add3A_573 = arith.addf %add3A_568, %get3A_572 : vector<16xf32>
    %get3A_574 = arith.constant 4 : i32
    %get3A_575 = arith.index_cast %get3A_574 : i32 to index
    %get3A_576 = arith.constant 0 : index
    %get3A_577 = tpu.vector_load %arg12[%get3A_575, %get3A_576] {strides = array<i32>} : memref<8x16xf32, #tpu.memory_space<vmem>>, vector<16xf32>,
    %add3A_578 = arith.addf %add3A_573, %get3A_577 : vector<16xf32>
    %get3A_579 = arith.constant 5 : i32
    %get3A_580 = arith.index_cast %get3A_579 : i32 to index
    %get3A_581 = arith.constant 0 : index
    %get3A_582 = tpu.vector_load %arg12[%get3A_580, %get3A_581] {strides = array<i32>} : memref<8x16xf32, #tpu.memory_space<vmem>>, vector<16xf32>,
    %add3A_583 = arith.addf %add3A_578, %get3A_582 : vector<16xf32>
    %get3A_584 = arith.constant 6 : i32
    %get3A_585 = arith.index_cast %get3A_584 : i32 to index
    %get3A_586 = arith.constant 0 : index
    %get3A_587 = tpu.vector_load %arg12[%get3A_585, %get3A_586] {strides = array<i32>} : memref<8x16xf32, #tpu.memory_space<vmem>>, vector<16xf32>,
    %add3A_588 = arith.addf %add3A_583, %get3A_587 : vector<16xf32>
    %get3A_589 = arith.constant 7 : i32
    %get3A_590 = arith.index_cast %get3A_589 : i32 to index
    %get3A_591 = arith.constant 0 : index
    %get3A_592 = tpu.vector_load %arg12[%get3A_590, %get3A_591] {strides = array<i32>} : memref<8x16xf32, #tpu.memory_space<vmem>>, vector<16xf32>,
    %add3A_593 = arith.addf %add3A_588, %get3A_592 : vector<16xf32>
    %reduce_sum3A = arith.constant true
    %reduce_sum3A_594 = vector.broadcast %reduce_sum3A : i1 to vector<16xi1>
    %reduce_sum3A_595 = tpu.scan <sum>, %add3A_593 masked %reduce_sum3A_594 : vector<16xf32>, vector<16xi1> -> vector<16xf32>
    %reduce_sum3A_596 = vector.extract %reduce_sum3A_595[15] : f32 from vector<16xf32>
    %broadcast_in_dim3A_597 = vector.broadcast %reduce_sum3A_596 : f32 to vector<16xf32>
    %add3A_598 = arith.constant 1.000000e-07 : f32
    %add3A_599 = vector.broadcast %add3A_598 : f32 to vector<16xf32>
    %add3A_600 = arith.addf %broadcast_in_dim3A_597, %add3A_599 : vector<16xf32>
    %div3A_601 = arith.constant 1.000000e+00 : f32
    %div3A_602 = vector.broadcast %div3A_601 : f32 to vector<16xf32>
    %div3A_603 = arith.divf %div3A_602, %add3A_600 : vector<16xf32>
    %get3A_604 = arith.constant 0 : index
    %get3A_605 = tpu.vector_load %arg10[%get3A_604] {strides = array<i32>} : memref<256xf32, #tpu.memory_space<vmem>>, vector<16xf32>,
    %mul3A_606 = arith.mulf %get3A_605, %div3A_603 : vector<16xf32>
    %swap3A_607 = arith.constant 0 : index
    %swap3A_608 = tpu.vector_load %arg10[%swap3A_607] {strides = array<i32>} : memref<256xf32, #tpu.memory_space<vmem>>, vector<16xf32>,
    tpu.vector_store %arg10[%swap3A_607], %mul3A_606 {strides = array<i32>} : memref<256xf32, #tpu.memory_space<vmem>>, vector<16xf32>,
    %get3A_609 = arith.constant 16 : index
    %get3A_610 = tpu.vector_load %arg10[%get3A_609] {strides = array<i32>} : memref<256xf32, #tpu.memory_space<vmem>>, vector<16xf32>,
    %mul3A_611 = arith.mulf %get3A_610, %div3A_603 : vector<16xf32>
    %swap3A_612 = arith.constant 16 : index
    %swap3A_613 = tpu.vector_load %arg10[%swap3A_612] {strides = array<i32>} : memref<256xf32, #tpu.memory_space<vmem>>, vector<16xf32>,
    tpu.vector_store %arg10[%swap3A_612], %mul3A_611 {strides = array<i32>} : memref<256xf32, #tpu.memory_space<vmem>>, vector<16xf32>,
    %get3A_614 = arith.constant 32 : index
    %get3A_615 = tpu.vector_load %arg10[%get3A_614] {strides = array<i32>} : memref<256xf32, #tpu.memory_space<vmem>>, vector<16xf32>,
    %mul3A_616 = arith.mulf %get3A_615, %div3A_603 : vector<16xf32>
    %swap3A_617 = arith.constant 32 : index
    %swap3A_618 = tpu.vector_load %arg10[%swap3A_617] {strides = array<i32>} : memref<256xf32, #tpu.memory_space<vmem>>, vector<16xf32>,
    tpu.vector_store %arg10[%swap3A_617], %mul3A_616 {strides = array<i32>} : memref<256xf32, #tpu.memory_space<vmem>>, vector<16xf32>,
    %get3A_619 = arith.constant 48 : index
    %get3A_620 = tpu.vector_load %arg10[%get3A_619] {strides = array<i32>} : memref<256xf32, #tpu.memory_space<vmem>>, vector<16xf32>,
    %mul3A_621 = arith.mulf %get3A_620, %div3A_603 : vector<16xf32>
    %swap3A_622 = arith.constant 48 : index
    %swap3A_623 = tpu.vector_load %arg10[%swap3A_622] {strides = array<i32>} : memref<256xf32, #tpu.memory_space<vmem>>, vector<16xf32>,
    tpu.vector_store %arg10[%swap3A_622], %mul3A_621 {strides = array<i32>} : memref<256xf32, #tpu.memory_space<vmem>>, vector<16xf32>,
    %get3A_624 = arith.constant 64 : index
    %get3A_625 = tpu.vector_load %arg10[%get3A_624] {strides = array<i32>} : memref<256xf32, #tpu.memory_space<vmem>>, vector<16xf32>,
    %mul3A_626 = arith.mulf %get3A_625, %div3A_603 : vector<16xf32>
    %swap3A_627 = arith.constant 64 : index
    %swap3A_628 = tpu.vector_load %arg10[%swap3A_627] {strides = array<i32>} : memref<256xf32, #tpu.memory_space<vmem>>, vector<16xf32>,
    tpu.vector_store %arg10[%swap3A_627], %mul3A_626 {strides = array<i32>} : memref<256xf32, #tpu.memory_space<vmem>>, vector<16xf32>,
    %get3A_629 = arith.constant 80 : index
    %get3A_630 = tpu.vector_load %arg10[%get3A_629] {strides = array<i32>} : memref<256xf32, #tpu.memory_space<vmem>>, vector<16xf32>,
    %mul3A_631 = arith.mulf %get3A_630, %div3A_603 : vector<16xf32>
    %swap3A_632 = arith.constant 80 : index
    %swap3A_633 = tpu.vector_load %arg10[%swap3A_632] {strides = array<i32>} : memref<256xf32, #tpu.memory_space<vmem>>, vector<16xf32>,
    tpu.vector_store %arg10[%swap3A_632], %mul3A_631 {strides = array<i32>} : memref<256xf32, #tpu.memory_space<vmem>>, vector<16xf32>,
    %get3A_634 = arith.constant 96 : index
    %get3A_635 = tpu.vector_load %arg10[%get3A_634] {strides = array<i32>} : memref<256xf32, #tpu.memory_space<vmem>>, vector<16xf32>,
    %mul3A_636 = arith.mulf %get3A_635, %div3A_603 : vector<16xf32>
    %swap3A_637 = arith.constant 96 : index
    %swap3A_638 = tpu.vector_load %arg10[%swap3A_637] {strides = array<i32>} : memref<256xf32, #tpu.memory_space<vmem>>, vector<16xf32>,
    tpu.vector_store %arg10[%swap3A_637], %mul3A_636 {strides = array<i32>} : memref<256xf32, #tpu.memory_space<vmem>>, vector<16xf32>,
    %get3A_639 = arith.constant 112 : index
    %get3A_640 = tpu.vector_load %arg10[%get3A_639] {strides = array<i32>} : memref<256xf32, #tpu.memory_space<vmem>>, vector<16xf32>,
    %mul3A_641 = arith.mulf %get3A_640, %div3A_603 : vector<16xf32>
    %swap3A_642 = arith.constant 112 : index
    %swap3A_643 = tpu.vector_load %arg10[%swap3A_642] {strides = array<i32>} : memref<256xf32, #tpu.memory_space<vmem>>, vector<16xf32>,
    tpu.vector_store %arg10[%swap3A_642], %mul3A_641 {strides = array<i32>} : memref<256xf32, #tpu.memory_space<vmem>>, vector<16xf32>,
    %get3A_644 = arith.constant 128 : index
    %get3A_645 = tpu.vector_load %arg10[%get3A_644] {strides = array<i32>} : memref<256xf32, #tpu.memory_space<vmem>>, vector<16xf32>,
    %mul3A_646 = arith.mulf %get3A_645, %div3A_603 : vector<16xf32>
    %swap3A_647 = arith.constant 128 : index
    %swap3A_648 = tpu.vector_load %arg10[%swap3A_647] {strides = array<i32>} : memref<256xf32, #tpu.memory_space<vmem>>, vector<16xf32>,
    tpu.vector_store %arg10[%swap3A_647], %mul3A_646 {strides = array<i32>} : memref<256xf32, #tpu.memory_space<vmem>>, vector<16xf32>,
    %get3A_649 = arith.constant 144 : index
    %get3A_650 = tpu.vector_load %arg10[%get3A_649] {strides = array<i32>} : memref<256xf32, #tpu.memory_space<vmem>>, vector<16xf32>,
    %mul3A_651 = arith.mulf %get3A_650, %div3A_603 : vector<16xf32>
    %swap3A_652 = arith.constant 144 : index
    %swap3A_653 = tpu.vector_load %arg10[%swap3A_652] {strides = array<i32>} : memref<256xf32, #tpu.memory_space<vmem>>, vector<16xf32>,
    tpu.vector_store %arg10[%swap3A_652], %mul3A_651 {strides = array<i32>} : memref<256xf32, #tpu.memory_space<vmem>>, vector<16xf32>,
    %get3A_654 = arith.constant 160 : index
    %get3A_655 = tpu.vector_load %arg10[%get3A_654] {strides = array<i32>} : memref<256xf32, #tpu.memory_space<vmem>>, vector<16xf32>,
    %mul3A_656 = arith.mulf %get3A_655, %div3A_603 : vector<16xf32>
    %swap3A_657 = arith.constant 160 : index
    %swap3A_658 = tpu.vector_load %arg10[%swap3A_657] {strides = array<i32>} : memref<256xf32, #tpu.memory_space<vmem>>, vector<16xf32>,
    tpu.vector_store %arg10[%swap3A_657], %mul3A_656 {strides = array<i32>} : memref<256xf32, #tpu.memory_space<vmem>>, vector<16xf32>,
    %get3A_659 = arith.constant 176 : index
    %get3A_660 = tpu.vector_load %arg10[%get3A_659] {strides = array<i32>} : memref<256xf32, #tpu.memory_space<vmem>>, vector<16xf32>,
    %mul3A_661 = arith.mulf %get3A_660, %div3A_603 : vector<16xf32>
    %swap3A_662 = arith.constant 176 : index
    %swap3A_663 = tpu.vector_load %arg10[%swap3A_662] {strides = array<i32>} : memref<256xf32, #tpu.memory_space<vmem>>, vector<16xf32>,
    tpu.vector_store %arg10[%swap3A_662], %mul3A_661 {strides = array<i32>} : memref<256xf32, #tpu.memory_space<vmem>>, vector<16xf32>,
    %get3A_664 = arith.constant 192 : index
    %get3A_665 = tpu.vector_load %arg10[%get3A_664] {strides = array<i32>} : memref<256xf32, #tpu.memory_space<vmem>>, vector<16xf32>,
    %mul3A_666 = arith.mulf %get3A_665, %div3A_603 : vector<16xf32>
    %swap3A_667 = arith.constant 192 : index
    %swap3A_668 = tpu.vector_load %arg10[%swap3A_667] {strides = array<i32>} : memref<256xf32, #tpu.memory_space<vmem>>, vector<16xf32>,
    tpu.vector_store %arg10[%swap3A_667], %mul3A_666 {strides = array<i32>} : memref<256xf32, #tpu.memory_space<vmem>>, vector<16xf32>,
    %get3A_669 = arith.constant 208 : index
    %get3A_670 = tpu.vector_load %arg10[%get3A_669] {strides = array<i32>} : memref<256xf32, #tpu.memory_space<vmem>>, vector<16xf32>,
    %mul3A_671 = arith.mulf %get3A_670, %div3A_603 : vector<16xf32>
    %swap3A_672 = arith.constant 208 : index
    %swap3A_673 = tpu.vector_load %arg10[%swap3A_672] {strides = array<i32>} : memref<256xf32, #tpu.memory_space<vmem>>, vector<16xf32>,
    tpu.vector_store %arg10[%swap3A_672], %mul3A_671 {strides = array<i32>} : memref<256xf32, #tpu.memory_space<vmem>>, vector<16xf32>,
    %get3A_674 = arith.constant 224 : index
    %get3A_675 = tpu.vector_load %arg10[%get3A_674] {strides = array<i32>} : memref<256xf32, #tpu.memory_space<vmem>>, vector<16xf32>,
    %mul3A_676 = arith.mulf %get3A_675, %div3A_603 : vector<16xf32>
    %swap3A_677 = arith.constant 224 : index
    %swap3A_678 = tpu.vector_load %arg10[%swap3A_677] {strides = array<i32>} : memref<256xf32, #tpu.memory_space<vmem>>, vector<16xf32>,
    tpu.vector_store %arg10[%swap3A_677], %mul3A_676 {strides = array<i32>} : memref<256xf32, #tpu.memory_space<vmem>>, vector<16xf32>,
    %get3A_679 = arith.constant 240 : index
    %get3A_680 = tpu.vector_load %arg10[%get3A_679] {strides = array<i32>} : memref<256xf32, #tpu.memory_space<vmem>>, vector<16xf32>,
    %mul3A_681 = arith.mulf %get3A_680, %div3A_603 : vector<16xf32>
    %swap3A_682 = arith.constant 240 : index
    %swap3A_683 = tpu.vector_load %arg10[%swap3A_682] {strides = array<i32>} : memref<256xf32, #tpu.memory_space<vmem>>, vector<16xf32>,
    tpu.vector_store %arg10[%swap3A_682], %mul3A_681 {strides = array<i32>} : memref<256xf32, #tpu.memory_space<vmem>>, vector<16xf32>,
    "tpu.region"() ({
      %run_scoped3A = tpu.sem_alloc : memref<!tpu.dma_semaphore, #tpu.memory_space<semaphore_mem>>
      %dma_start3A_684 = tpu.memref_slice %arg5[%add3A, %mul3A_32] : memref<4x2048xf32, #tpu.memory_space<hbm>> -> memref<1x256xf32, #tpu.memory_space<hbm>>
      %dma_start3A_685 = tpu.memref_squeeze %dma_start3A_684 : memref<1x256xf32, #tpu.memory_space<hbm>> -> memref<256xf32, #tpu.memory_space<hbm>>
      %dma_start3A_686 = tpu.memref_slice %arg5[%add3A, %mul3A_32] : memref<4x2048xf32, #tpu.memory_space<hbm>> -> memref<1x256xf32, #tpu.memory_space<hbm>>
      %dma_start3A_687 = tpu.memref_squeeze %dma_start3A_686 : memref<1x256xf32, #tpu.memory_space<hbm>> -> memref<256xf32, #tpu.memory_space<hbm>>
      tpu.enqueue_dma source(%arg10 : memref<256xf32, #tpu.memory_space<vmem>>) target(%dma_start3A_687 : memref<256xf32, #tpu.memory_space<hbm>>) target_semaphore(%run_scoped3A : memref<!tpu.dma_semaphore, #tpu.memory_space<semaphore_mem>>)
      %dma_wait3A_688 = tpu.memref_slice %arg5[%add3A, %mul3A_32] : memref<4x2048xf32, #tpu.memory_space<hbm>> -> memref<1x256xf32, #tpu.memory_space<hbm>>
      %dma_wait3A_689 = tpu.memref_squeeze %dma_wait3A_688 : memref<1x256xf32, #tpu.memory_space<hbm>> -> memref<256xf32, #tpu.memory_space<hbm>>
      %dma_wait3A_690 = tpu.memref_slice %arg5[%add3A, %mul3A_32] : memref<4x2048xf32, #tpu.memory_space<hbm>> -> memref<1x256xf32, #tpu.memory_space<hbm>>
      %dma_wait3A_691 = tpu.memref_squeeze %dma_wait3A_690 : memref<1x256xf32, #tpu.memory_space<hbm>> -> memref<256xf32, #tpu.memory_space<hbm>>
      tpu.wait_dma2 semaphore(%run_scoped3A : memref<!tpu.dma_semaphore, #tpu.memory_space<semaphore_mem>>) src(%arg10 : memref<256xf32, #tpu.memory_space<vmem>>) dst(%dma_wait3A_691 : memref<256xf32, #tpu.memory_space<hbm>>)
      tpu.yield
    }) : () -> ()
    return
  }
}

module attributes {stable_mosaic.version = 14 : i64} {
  func.func @_tc_body(%arg0: i32, %arg1: i32, %arg2: memref<2048x1024xf32, #tpu.memory_space<vmem>>, %arg3: memref<1x1024x1024xf32, #tpu.memory_space<vmem>>, %arg4: memref<1x1024x1024xf32, #tpu.memory_space<vmem>>, %arg5: memref<1x1024x1024xf32, #tpu.memory_space<vmem>>, %arg6: memref<1x1x1024xf32, #tpu.memory_space<vmem>>, %arg7: memref<1x1x1024xf32, #tpu.memory_space<vmem>>, %arg8: memref<1x2048xf32, #tpu.memory_space<vmem>>) attributes {dimension_semantics = [#tpu.dimension_semantics<arbitrary>, #tpu.dimension_semantics<arbitrary>], iteration_bounds = array<i64: 4, 2>, scalar_prefetch = 0 : i64, scratch_operands = 1 : i64, tpu.core_type = #tpu.core_type<tc>, window_params = [{pipeline_mode = #tpu.pipeline_mode<synchronous>, transform_indices = @transform_0, window_bounds = array<i64: 2048, 1024>}, {transform_indices = @transform_1, window_bounds = array<i64: 1, 1024, 1024>}, {transform_indices = @transform_2, window_bounds = array<i64: 1, 1024, 1024>}, {transform_indices = @transform_3, window_bounds = array<i64: 1, 1024, 1024>}, {transform_indices = @transform_4, window_bounds = array<i64: 1, 1, 1024>}, {transform_indices = @transform_5, window_bounds = array<i64: 1, 1, 1024>}]} {
    %eq3A = arith.constant 0 : i32
    %eq3A_0 = arith.cmpi eq, %arg0, %eq3A : i32
    %eq3A_1 = arith.constant 0 : i32
    %eq3A_2 = arith.cmpi eq, %arg1, %eq3A_1 : i32
    %and3A = arith.andi %eq3A_0, %eq3A_2 : i1
    %convert_element_type3A = arith.extui %and3A : i1 to i32
    %cond3A = arith.constant 0 : i32
    %cond3A_3 = arith.cmpi ne, %convert_element_type3A, %cond3A : i32
    scf.if %cond3A_3 {
      %get3A_39 = arith.constant 0 : index
      %get3A_40 = arith.constant 0 : index
      %get3A_41 = vector.load %arg2[%get3A_39, %get3A_40] : memref<2048x1024xf32, #tpu.memory_space<vmem>>, vector<2048x1024xf32>
      %reduce_sum3A_42 = arith.constant dense<0.000000e+00> : vector<2048xf32>
      %reduce_sum3A_43 = vector.multi_reduction <add>, %get3A_41, %reduce_sum3A_42 [1] : vector<2048x1024xf32> to vector<2048xf32>
      %broadcast_in_dim3A_44 = vector.shape_cast %reduce_sum3A_43 : vector<2048xf32> to vector<1x2048xf32>
      %swap3A_45 = arith.constant 0 : index
      %swap3A_46 = arith.constant 0 : index
      %swap3A_47 = vector.load %arg8[%swap3A_45, %swap3A_46] : memref<1x2048xf32, #tpu.memory_space<vmem>>, vector<1x2048xf32>
      tpu.vector_store %arg8[%swap3A_45, %swap3A_46], %broadcast_in_dim3A_44 {strides = array<i32>} : memref<1x2048xf32, #tpu.memory_space<vmem>>, vector<1x2048xf32>,
    } else {
    }
    %get3A = arith.constant 0 : index
    %get3A_4 = arith.constant 0 : index
    %get3A_5 = vector.load %arg8[%get3A, %get3A_4] : memref<1x2048xf32, #tpu.memory_space<vmem>>, vector<1x1024xf32>
    %get3A_6 = arith.constant 0 : index
    %get3A_7 = arith.constant 1024 : index
    %get3A_8 = vector.load %arg8[%get3A_6, %get3A_7] : memref<1x2048xf32, #tpu.memory_space<vmem>>, vector<1x1024xf32>
    %get3A_9 = arith.constant 0 : index
    %get3A_10 = arith.constant 0 : index
    %get3A_11 = arith.constant 0 : index
    %get3A_12 = vector.load %arg4[%get3A_9, %get3A_10, %get3A_11] : memref<1x1024x1024xf32, #tpu.memory_space<vmem>>, vector<1x1024x1024xf32>
    %get3A_13 = vector.shape_cast %get3A_12 : vector<1x1024x1024xf32> to vector<1024x1024xf32>
    %get3A_14 = arith.constant 0 : index
    %get3A_15 = arith.constant 0 : index
    %get3A_16 = arith.constant 0 : index
    %get3A_17 = vector.load %arg5[%get3A_14, %get3A_15, %get3A_16] : memref<1x1024x1024xf32, #tpu.memory_space<vmem>>, vector<1x1024x1024xf32>
    %get3A_18 = vector.shape_cast %get3A_17 : vector<1x1024x1024xf32> to vector<1024x1024xf32>
    %mul3A = arith.mulf %get3A_13, %get3A_18 : vector<1024x1024xf32>
    %mul3A_19 = vector.broadcast %get3A_5 : vector<1x1024xf32> to vector<1024x1024xf32>
    %mul3A_20 = arith.mulf %mul3A, %mul3A_19 : vector<1024x1024xf32>
    %reduce_sum3A = arith.constant dense<0.000000e+00> : vector<1024xf32>
    %reduce_sum3A_21 = vector.multi_reduction <add>, %mul3A_20, %reduce_sum3A [1] : vector<1024x1024xf32> to vector<1024xf32>
    %broadcast_in_dim3A = vector.shape_cast %reduce_sum3A_21 : vector<1024xf32> to vector<1x1x1024xf32>
    %swap3A = arith.constant 0 : index
    %swap3A_22 = arith.constant 0 : index
    %swap3A_23 = arith.constant 0 : index
    %swap3A_24 = vector.load %arg6[%swap3A, %swap3A_22, %swap3A_23] : memref<1x1x1024xf32, #tpu.memory_space<vmem>>, vector<1x1x1024xf32>
    tpu.vector_store %arg6[%swap3A, %swap3A_22, %swap3A_23], %broadcast_in_dim3A {strides = array<i32>} : memref<1x1x1024xf32, #tpu.memory_space<vmem>>, vector<1x1x1024xf32>,
    %get3A_25 = arith.constant 0 : index
    %get3A_26 = arith.constant 0 : index
    %get3A_27 = arith.constant 0 : index
    %get3A_28 = vector.load %arg3[%get3A_25, %get3A_26, %get3A_27] : memref<1x1024x1024xf32, #tpu.memory_space<vmem>>, vector<1x1024x1024xf32>
    %get3A_29 = vector.shape_cast %get3A_28 : vector<1x1024x1024xf32> to vector<1024x1024xf32>
    %mul3A_30 = vector.broadcast %get3A_8 : vector<1x1024xf32> to vector<1024x1024xf32>
    %mul3A_31 = arith.mulf %get3A_29, %mul3A_30 : vector<1024x1024xf32>
    %reduce_sum3A_32 = arith.constant dense<0.000000e+00> : vector<1024xf32>
    %reduce_sum3A_33 = vector.multi_reduction <add>, %mul3A_31, %reduce_sum3A_32 [1] : vector<1024x1024xf32> to vector<1024xf32>
    %broadcast_in_dim3A_34 = vector.shape_cast %reduce_sum3A_33 : vector<1024xf32> to vector<1x1x1024xf32>
    %swap3A_35 = arith.constant 0 : index
    %swap3A_36 = arith.constant 0 : index
    %swap3A_37 = arith.constant 0 : index
    %swap3A_38 = vector.load %arg7[%swap3A_35, %swap3A_36, %swap3A_37] : memref<1x1x1024xf32, #tpu.memory_space<vmem>>, vector<1x1x1024xf32>
    tpu.vector_store %arg7[%swap3A_35, %swap3A_36, %swap3A_37], %broadcast_in_dim3A_34 {strides = array<i32>} : memref<1x1x1024xf32, #tpu.memory_space<vmem>>, vector<1x1x1024xf32>,
    return
  }
  func.func @transform_0(%arg0: i32, %arg1: i32) -> (i32, i32) {
    %c0_i32 = arith.constant 0 : i32
    %c0_i32_0 = arith.constant 0 : i32
    %c0_i32_1 = arith.constant 0 : i32
    return %c0_i32, %c0_i32_0 : i32, i32
  }
  func.func @transform_1(%arg0: i32, %arg1: i32) -> (i32, i32, i32) {
    %c0_i32 = arith.constant 0 : i32
    %c0_i32_0 = arith.constant 0 : i32
    return %arg0, %arg1, %c0_i32 : i32, i32, i32
  }
  func.func @transform_2(%arg0: i32, %arg1: i32) -> (i32, i32, i32) {
    %c0_i32 = arith.constant 0 : i32
    %c0_i32_0 = arith.constant 0 : i32
    return %arg0, %arg1, %c0_i32 : i32, i32, i32
  }
  func.func @transform_3(%arg0: i32, %arg1: i32) -> (i32, i32, i32) {
    %c0_i32 = arith.constant 0 : i32
    %c0_i32_0 = arith.constant 0 : i32
    return %arg0, %arg1, %c0_i32 : i32, i32, i32
  }
  func.func @transform_4(%arg0: i32, %arg1: i32) -> (i32, i32, i32) {
    %mul3A = arith.constant 2 : i32
    %mul3A_0 = arith.muli %arg0, %mul3A : i32
    %add3A = arith.addi %mul3A_0, %arg1 : i32
    %c0_i32 = arith.constant 0 : i32
    %c0_i32_1 = arith.constant 0 : i32
    %c0_i32_2 = arith.constant 0 : i32
    return %add3A, %c0_i32, %c0_i32_1 : i32, i32, i32
  }
  func.func @transform_5(%arg0: i32, %arg1: i32) -> (i32, i32, i32) {
    %mul3A = arith.constant 2 : i32
    %mul3A_0 = arith.muli %arg0, %mul3A : i32
    %add3A = arith.addi %mul3A_0, %arg1 : i32
    %c0_i32 = arith.constant 0 : i32
    %c0_i32_1 = arith.constant 0 : i32
    %c0_i32_2 = arith.constant 0 : i32
    return %add3A, %c0_i32, %c0_i32_1 : i32, i32, i32
  }
}

</mosaic_0001>

<sc_bundles>
// kernel: kernel.4.cloned.1.call-start
scs
__scs_entry_jumppad:
0x0: {  	(pc) =	sbr.rel $0x88, $3  }
0x1: {  	(tag) =	ssettag $0x0;
	lr =	simm.s32 $0x1  }
0x2: {  	[smem:$0x3F9C] =	sst lr;
	_ =	strace $0xD0000000  }
0x3: {  	_ = 	snop  }
0x4: {  	_ = 	snop  }
0x5: {  	_ = 	snop  }
0x6: {  	_ = 	snop  }
0x7: {  	_ = 	snop  }
__scs_overlays_trampoline_lowered:
0x8: {  	[smem:$0x3FAB] =	sst s0  }
0x9: {  	[smem:$0x3FAC] =	sst s1  }
0xa: {  	[smem:$0x3FAD] =	sst s2  }
0xb: {  	[smem:$0x3FAE] =	sst s3  }
0xc: {  	[smem:$0x3FAF] =	sst s4  }
0xd: {  	[smem:$0x3FB0] =	sst s5  }
0xe: {  	[smem:$0x3FB1] =	sst s6  }
0xf: {  	[smem:$0x3FB2] =	sst s7  }
0x10: {  	[smem:$0x3FB3] =	sst s8  }
0x11: {  	[smem:$0x3FB4] =	sst s9;
	s0 =	simm.s32 @!p0 $0x0  }
0x12: {  	s1 =	sld [smem:$0x3F9A];
	s0 =	simm.s32 @p0 $0x1  }
0x13: {  	[smem:$0x3FB5] =	sst s0;
	s0 =	simm.s32 @!p1 $0x0  }
0x14: {  	s2 =	sld [smem:$0x3F99];
	s0 =	simm.s32 @p1 $0x1  }
0x15: {  	[smem:$0x3FB6] =	sst s0;
	s0 =	simm.s32 @!p2 $0x0  }
0x16: {  	s3 =	sld [smem:$0x3FDB];
	s0 =	simm.s32 @p2 $0x1  }
0x17: {  	s4 =	simm.s32 $0x1BF5;
	[smem:$0x3FB8] =	sst s0  }
0x18: {  	s0 =	sld [smem:$0x3F9B];
	_ =	swait.ge [sflag:s4], $0x0  }
0x19: {  	s7 =	sld [smem:$0x3F9C]  }
0x1a: {  	s8 =	sadd.s32 $0xFFFFE003, lr  }
0x1b: {  	s9 =	sadd.s32 $0xFFFFFEF7, lr;
	s5 =	simm.s32 $0xFFFFFFFF;
	p2 =	slt.u32 s8, $0xFFFFF086  }
0x1c: {  	p1 =	slt.u32 s9, $0xF7A;
	s5 =	simm.s32 @!p2 $0x0  }
0x1d: {  	s5 =	simm.s32 @p1 $0x1;
	p0 =	seq.s32 s7, s2  }
0x1e: {  	s7 =	smul.u32 @!p0 $0xF7A, s2;
	p2 =	seq.s32 @!p0 s5, $0x0  }
0x1f: {  	s9 =	smul.u32 $0xF7A, s1;
	s8 =	simm.s32 @!p0 $0x1BF5;
	p2 =	por !p2, p0  }
0x20: {  	[sflag:s8] =	ssyncset.s32 @!p0 $0xFFFFF086;
	s6 =	sadd.s32 @!p0 s3, s7;
	s7 =	simm.s32 @!p0 $0x108  }
0x21: {  	s3 =	sadd.s32 s3, s9;
	s6 =	sadd.s32 @!p0 $0x88, s6;
	s7 =	simm.s32 @p2 $0x1082  }
0x22: {  	[simem:s7], [sflag:s8] =	dma.local @!p0 [hbm:s6], $0xF7A  }
0x23: {  	s9 =	sor.u32 $0xD0000000, s2;
	s6 =	simm.s32 $0x108;
	_ =	swait.ge @!p0 [sflag:s8], $0x0  }
0x24: {  	s3 =	sadd.s32 $0x88, s3;
	s6 =	simm.s32 @!p1 $0x1082;
	[sflag:s4] =	ssyncset.s32 $0xFFFFF086  }
0x25: {  	[simem:s6], [sflag:s4] =	dma.local [hbm:s3], $0xF7A  }
0x26: {  	[smem:$0x3F9C] =	sst s1;
	(tag) =	ssettag s2;
	_ =	strace s9  }
0x27: {  	s1 =	sld [smem:$0x3FAC]  }
0x28: {  	s2 =	sld [smem:$0x3FAD]  }
0x29: {  	s4 =	sld [smem:$0x3FAF]  }
0x2a: {  	p0 =	seq.s32 s5, $0x0;
	s5 =	sld [smem:$0x3FB0]  }
0x2b: {  	s6 =	sld [smem:$0x3FB1]  }
0x2c: {  	s7 =	sld [smem:$0x3FB2]  }
0x2d: {  	s3 =	simm.s32 $0x108;
	s8 =	sld [smem:$0x3FB3]  }
0x2e: {  	s3 =	simm.s32 @!p0 $0x1082;
	s9 =	sld [smem:$0x3FB4]  }
0x2f: {  	lr =	sadd.s32 s0, s3;
	s0 =	sld [smem:$0x3FAB]  }
0x30: {  	s3 =	sld [smem:$0x3FAE]  }
0x31: {  	[smem:$0x3FB7] =	sst s10  }
0x32: {  	s10 =	sld [smem:$0x3FB5];
	_ =	sdelay $0x3  }
0x33: {  	p0 =	seq.s32 s10, $0x1;
	s10 =	sld [smem:$0x3FB7];
	_ =	sdelay $0x3  }
0x34: {  	[smem:$0x3FB7] =	sst s10  }
0x35: {  	s10 =	sld [smem:$0x3FB6];
	_ =	sdelay $0x3  }
0x36: {  	p1 =	seq.s32 s10, $0x1;
	s10 =	sld [smem:$0x3FB7];
	_ =	sdelay $0x3  }
0x37: {  	[smem:$0x3FB7] =	sst s10  }
0x38: {  	s10 =	sld [smem:$0x3FB8]  }
0x39: {  	_ = 	snop;
	(pc) =	sbr.ind lr, $3  }
0x3a: {  	_ = 	snop  }
0x3b: {  	_ = 	snop  }
0x3c: {  	p2 =	seq.s32 s10, $0x1;
	s10 =	sld [smem:$0x3FB7]  }
0x3d: {  	_ =	shalt  }
0x3e: {  	_ =	shalt  }
0x3f: {  	_ =	shalt  }
0x40: {  	_ =	shalt  }
0x41: {  	_ =	shalt  }
0x42: {  	_ =	shalt  }
0x43: {  	_ =	shalt  }
0x44: {  	_ =	shalt  }
0x45: {  	_ =	shalt  }
0x46: {  	_ =	shalt  }
0x47: {  	_ =	shalt  }
0x48: {  	_ =	shalt  }
0x49: {  	_ =	shalt  }
0x4a: {  	_ =	shalt  }
0x4b: {  	_ =	shalt  }
0x4c: {  	_ =	shalt  }
0x4d: {  	_ =	shalt  }
0x4e: {  	_ =	shalt  }
0x4f: {  	_ =	shalt  }
0x50: {  	_ =	shalt  }
0x51: {  	_ =	shalt  }
0x52: {  	_ =	shalt  }
0x53: {  	_ =	shalt  }
0x54: {  	_ =	shalt  }
0x55: {  	_ =	shalt  }
0x56: {  	_ =	shalt  }
0x57: {  	_ =	shalt  }
0x58: {  	_ =	shalt  }
0x59: {  	_ =	shalt  }
0x5a: {  	_ =	shalt  }
0x5b: {  	_ =	shalt  }
0x5c: {  	_ =	shalt  }
0x5d: {  	_ =	shalt  }
0x5e: {  	_ =	shalt  }
0x5f: {  	_ =	shalt  }
0x60: {  	_ =	shalt  }
0x61: {  	_ =	shalt  }
0x62: {  	_ =	shalt  }
0x63: {  	_ =	shalt  }
0x64: {  	_ =	shalt  }
0x65: {  	_ =	shalt  }
0x66: {  	_ =	shalt  }
0x67: {  	_ =	shalt  }
0x68: {  	_ =	shalt  }
0x69: {  	_ =	shalt  }
0x6a: {  	_ =	shalt  }
0x6b: {  	_ =	shalt  }
0x6c: {  	_ =	shalt  }
0x6d: {  	_ =	shalt  }
0x6e: {  	_ =	shalt  }
0x6f: {  	_ =	shalt  }
0x70: {  	_ =	shalt  }
0x71: {  	_ =	shalt  }
0x72: {  	_ =	shalt  }
0x73: {  	_ =	shalt  }
0x74: {  	_ =	shalt  }
0x75: {  	_ =	shalt  }
0x76: {  	_ =	shalt  }
0x77: {  	_ =	shalt  }
0x78: {  	_ =	shalt  }
0x79: {  	_ =	shalt  }
0x7a: {  	_ =	shalt  }
0x7b: {  	_ =	shalt  }
0x7c: {  	_ =	shalt  }
0x7d: {  	_ =	shalt  }
0x7e: {  	_ =	shalt  }
0x7f: {  	_ =	shalt  }
0x80: {  	_ =	shalt  }
0x81: {  	_ =	shalt  }
0x82: {  	_ =	shalt  }
0x83: {  	_ =	shalt  }
0x84: {  	_ =	shalt  }
0x85: {  	_ =	shalt  }
0x86: {  	_ =	shalt  }
0x87: {  	_ =	shalt  }
.Lfunc_end0:
.L_simem_size_0:
called_computation_lowered:
.L_overlay_start_0:
0x88: {  	s2 =	sld [smem:$0x3FD9]  }
0x89: {  	s3 =	sld [smem:$0x3FFE];
	_ =	sdelay $0x1  }
0x8a: {  	s1 =	srdreg.scid  }
0x8b: {  	s0 =	sand.u32 $0x1, s1  }
0x8c: {  	s17 =	sshll.u32 s0, $0xA;
	s2 =	sadd.s32 s3, s2  }
0x8d: {  	s2 =	sadd.s32 s2, s17  }
0x8e: {  	[smem:$0x3FC3] =	sst s2  }
0x8f: {  	_ = 	snop  }
0x90: {  	s2 =	sld [smem:$0x3FC8]  }
0x91: {  	s18 =	sld [smem:$0x3FD0];
	(tm) =	ssettm $0x1  }
0x92: {  	s4 =	sld [smem:$0x3FFB];
	_ =	sdelay $0x3  }
0x93: {  	_ =	strace s4  }
0x94: {  	s4 =	sld [smem:$0x3FFC];
	_ =	sdelay $0x3  }
0x95: {  	_ =	strace s4  }
0x96: {  	s4 =	sld [smem:$0x3FFD];
	_ =	sdelay $0x3  }
0x97: {  	_ =	strace s4  }
0x98: {  	_ =	strace $0x8FFFFFFF  }
0x99: {  	s19 =	sld [smem:$0x3FDB];
	_ =	sdelay $0x1  }
0x9a: {  	s5 =	simm.s32 $_scs_section_size  }
0x9b: {  	s6 =	simm.s32 $_size__tile_overlayer_lowered;
	s7 =	simm.s32 $_tile_overlayer_lowered  }
0x9c: {  	s22 =	simm.s32 $0x1BFF;
	s21 =	sshll.u32 s7, $0x1;
	s4 =	sadd.s32 s5, s19  }
0x9d: {  	s8 =	simm.s32 $0x0;
	s20 =	sshll.u32 s6, $0x1;
	s6 =	sadd.s32 s21, s4  }
0x9e: {  	[timem:s8], [sflag:s22] =	dma.local [hbm:s6], s20  }
0x9f: {  	_ =	swait.ge [sflag:s22], s20  }
0xa0: {  	s5 =	ssub.s32 $0x0, s20;
	[sflag:s22] =	ssyncset.done $0x0  }
0xa1: {  	[sflag:s22] =	ssyncadd.s32 s5;
	_ =	sdelay $0x1  }
0xa2: {  	s23 =	simm.s32 $0x1B8B  }
0xa3: {  	_ =	swait.ge [sflag:s23], $0x1  }
0xa4: {  	[sflag:s23] =	ssyncset.done $0x0  }
0xa5: {  	s25 =	simm.s32 $0x1B8E;
	s24 =	sld [smem:$0x3FFE];
	[sflag:s23] =	ssyncadd.s32 $0xFFFFFFFF  }
0xa6: {  	s26 =	simm.s32 $execute0_lowered;
	[smem:$0x3FD2] =	sst s25  }
0xa7: {  	s6 =	sshll.u32 s26, $0x1;
	_ =	strace $0x80000046;
	[dreg:$0x1] =	wrdreg $0xFFFFFFFF  }
0xa8: {  	s28 =	simm.s32 $_size_execute0_lowered;
	s4 =	sadd.s32 s4, s6;
	[dreg:$0x0] =	wrdreg $0x0  }
0xa9: {  	s6 =	sshll.u32 s28, $0x1;
	[dreg:$0x2] =	wrdreg s4  }
0xaa: {  	[dreg:$0x3] =	wrdreg s6  }
0xab: {  	[dreg:$0x4] =	wrdreg $0xC0  }
0xac: {  	_ =	task [dreg:s8], $0x5FFFF  }
0xad: {  	[dreg:$0x1] =	wrdreg $0xFFFFFFFF  }
0xae: {  	[dreg:$0x0] =	wrdreg $0x60  }
0xaf: {  	[dreg:$0x2] =	wrdreg s18  }
0xb0: {  	[dreg:$0x3] =	wrdreg s24  }
0xb1: {  	[dreg:$0x4] =	wrdreg s2  }
0xb2: {  	[dreg:$0x5] =	wrdreg $0x9  }
0xb3: {  	_ =	task.clear_ibuf [dreg:s8], $0x6FFFF;
	_ =	strace $0x90000046  }
0xb4: {  	s29 =	simm.s32 $0x9;
	_ =	strace $0x80000048  }
0xb5: {  	_ =	swait.ge [sflag:s29], $0x1  }
0xb6: {  	[sflag:s29] =	ssyncadd.s32 $0xFFFFFFFF  }
0xb7: {  	_ =	strace $0x90000048  }
0xb8: {  	_ =	sfence  }
0xb9: {  	s30 =	sld [smem:$0x0];
	_ =	sdelay $0x2  }
0xba: {  	s31 =	sshll.u32 s1, $0xD;
	s1 =	sshrl.u32 s1, $0x2  }
0xbb: {  	s3 =	sand.u32 $0x4000, s31;
	s1 =	sadd.s32 s1, s30  }
0xbc: {  	s0 =	sor.u32 s3, s0;
	s1 =	sshll.u32 s1, $0x11  }
0xbd: {  	s0 =	sor.u32 s1, s0  }
0xbe: {  	s0 =	sadd.s32 $0x8F2B, s0  }
0xbf: {  	[sflag:s0] =	ssyncadd.remote.s32 $0x1  }
0xc0: {  	_ =	sfence.sel $0xFFFF  }
0xc1: {  	[dreg:$0x0] =	wrdreg $0xFFFFFFFF;
	(pc) =	sbr.abs _section_cstart, $3  }
0xc2: {  	[dreg:$0x1] =	wrdreg $0xFFFFFFFF  }
0xc3: {  	_ =	task.clear_ibuf [dreg:s8], $0x2FFFF;
	_ =	strace $0x9FFFFFFF  }
0xc4: {  	(tm) =	ssettm $0x7FFFFFFF  }
0xc5: {  	_ =	shalt  }
tec
execute0_lowered:
.L_overlay_start_1:
0x0: {  	(tag) =	ssettag $0x1  }
0x1: {  	s3 =	rddreg [dreg:$0x0]  }
0x2: {  	s1 =	srdreg.scid;
	s4 =	rddreg [dreg:$0x1]  }
0x3: {  	s0 =	stileid.u32;
	s9 =	rddreg [dreg:$0x2]  }
0x4: {  	s2 =	simm.s32 $0x0;
	s15 =	simm.s32 $0x2;
	s16 =	simm.s32 $0x3  }
0x5: {  	s17 =	simm.s32 $0xB00;
	s18 =	simm.s32 $0x4;
	s19 =	simm.s32 $0xB80  }
0x6: {  	s20 =	simm.s32 $0xA00;
	s5 =	sand.u32 $0x1, s1;
	s1 =	rddreg [dreg:$0x3]  }
0x7: {  	s6 =	sshll.u32 s0, $0x4;
	s29 =	sshll.u32 s0, $0xA;
	[smem:$0x7FF] =	sst s2  }
0x8: {  	s13 =	sadd.s32 $0x600, s4;
	s7 =	sshll.u32 s5, $0x8;
	s8 =	sand.u32 $0x80, s6  }
0x9: {  	s11 =	sand.u32 $0x1C00, s29;
	_ =	strace $0x80000047;
	s5 =	ssub.s32 $0x2, s5  }
0xa: {  	s6 =	sadd.s32 s13, s6;
	s10 =	sor.u32 s7, s8;
	s30 =	sshrl.u32 s5, $0x1  }
0xb: {  	s31 =	sadd.s32 s13, s7;
	s6 =	sadd.s32 s7, s6;
	s13 =	simm.s32 $0x900  }
0xc: {  	s11 =	sor.u32 s11, s10;
	s10 =	sshrl.u32 s10, $0x3;
	s14 =	ssub.s32 s5, s30  }
0xd: {  	s7 =	sadd.s32 s8, s31;
	s11 =	sshrl.u32 s11, $0x3;
	s3 =	sadd.s32 s3, s10  }
0xe: {  	s10 =	simm.s32 $0x80;
	s12 =	sadd.s32 s11, s4;
	s5 =	sadd.s32 s9, s11  }
0xf: {  	s9 =	smax.u32 s14, $0x1;
	s11 =	simm.s32 $0x200;
	s14 =	simm.s32 $0x1  }
0x10: {  	s4 =	sadd.s32 $0x200, s12;
	s8 =	sadd.s32 $0x800, s12;
	s12 =	simm.s32 $0x800  }
.LBB2_1:
0x11: {  	[tilespmem:s2], [sflag:$0x1] =	stream.strided.gather [hbm4b:s3+s10], $0x800, s11, s10, $0x38;
	[tilespmem:$0xF80] =	vst v63  }
0x12: {  	_ = 	snop  }
0x13: {  	[tilespmem:s12], [sflag:$0x2] =	stream.strided.gather [hbm4b:s4+s10], $0x100, s11, s10, $0x38;
	[tilespmem:$0xF80] =	vst v63  }
0x14: {  	_ = 	snop  }
0x15: {  	[tilespmem:s13], [sflag:$0x3] =	stream.strided.gather [hbm4b:s5+s10], $0x100, s11, s10, $0x38;
	[tilespmem:$0xF80] =	vst v63  }
0x16: {  	_ =	swait.ge [sflag:s14], $0x800  }
0x17: {  	[sflag:s14] =	ssyncset.done $0x0  }
0x18: {  	[sflag:s14] =	ssyncadd.s32 $0xFFFFF800  }
0x19: {  	_ =	swait.ge [sflag:s15], $0x100  }
0x1a: {  	[sflag:s15] =	ssyncset.done $0x0  }
0x1b: {  	[sflag:s15] =	ssyncadd.s32 $0xFFFFFF00  }
0x1c: {  	_ =	swait.ge [sflag:s16], $0x100  }
0x1d: {  	[sflag:s16] =	ssyncset.done $0x0  }
0x1e: {  	[sflag:s16] =	ssyncadd.s32 $0xFFFFFF00  }
0x1f: {  	v0 =	vld [tilespmem:$0x900];
	_ =	sdelay $0x6  }
0x20: {  	v1 =	vld [tilespmem:$0x800]  }
0x21: {  	v0 =	vld.idx.msk [tilespmem:v0+s2+$0x0], $0xffff;
	_ =	sdelay $0x4  }
0x22: {  	v0 =	vadd.f32 v1, v0;
	_ =	sdelay $0x1  }
0x23: {  	v1 =	vand.u32 $0x7FFFFFFF, v0  }
0x24: {  	v1 =	vadd.f32 v1, v1;
	_ =	sdelay $0x1  }
0x25: {  	v1 =	vmul.f32 $1.442695020e+00, v1;
	_ =	sdelay $0x1  }
0x26: {  	(erf) = vpow2.f32 v1;
	_ =	sdelay $0x8  }
0x27: {  	v1 =	vpop (erf)  }
0x28: {  	v1 =	vadd.f32 $1.000000000e+00, v1;
	_ =	sdelay $0x1  }
0x29: {  	(erf) = vrcp.f32 v1;
	_ =	sdelay $0x8  }
0x2a: {  	v1 =	vpop (erf)  }
0x2b: {  	v1 =	vadd.f32 v1, v1;
	_ =	sdelay $0x1  }
0x2c: {  	v1 =	vsub.f32 $1.000000000e+00, v1;
	_ =	sdelay $0x1  }
0x2d: {  	v2 =	vsub.f32 $0.0e+00, v1  }
0x2e: {  	vm0 =	vlt.f32 v0, $0.0e+00  }
0x2f: {  	v0 =	vsel vm0, v2, v1  }
0x30: {  	v0 =	vmul.f32 $1.442695020e+00, v0;
	_ =	sdelay $0x1  }
0x31: {  	(erf) = vpow2.f32 v0;
	_ =	sdelay $0x2  }
0x32: {  	v33 =	vld [tilespmem:$0x910];
	_ =	sdelay $0x5  }
0x33: {  	v0 =	vpop (erf)  }
0x34: {  	v34 =	vld [tilespmem:$0x810];
	[tilespmem:$0xA00] =	vst v0  }
0x35: {  	v1 =	vld.idx.msk [tilespmem:v33+s2+$0x0], $0xffff;
	_ =	sdelay $0x4  }
0x36: {  	v1 =	vadd.f32 v34, v1;
	_ =	sdelay $0x1  }
0x37: {  	v2 =	vand.u32 $0x7FFFFFFF, v1  }
0x38: {  	v2 =	vadd.f32 v2, v2;
	_ =	sdelay $0x1  }
0x39: {  	v2 =	vmul.f32 $1.442695020e+00, v2;
	_ =	sdelay $0x1  }
0x3a: {  	(erf) = vpow2.f32 v2;
	_ =	sdelay $0x8  }
0x3b: {  	v2 =	vpop (erf)  }
0x3c: {  	v2 =	vadd.f32 $1.000000000e+00, v2;
	_ =	sdelay $0x1  }
0x3d: {  	(erf) = vrcp.f32 v2;
	_ =	sdelay $0x8  }
0x3e: {  	v2 =	vpop (erf)  }
0x3f: {  	v2 =	vadd.f32 v2, v2;
	_ =	sdelay $0x1  }
0x40: {  	v2 =	vsub.f32 $1.000000000e+00, v2;
	_ =	sdelay $0x1  }
0x41: {  	v3 =	vsub.f32 $0.0e+00, v2  }
0x42: {  	vm13 =	vlt.f32 v1, $0.0e+00  }
0x43: {  	v1 =	vsel vm13, v3, v2  }
0x44: {  	v1 =	vmul.f32 $1.442695020e+00, v1;
	_ =	sdelay $0x1  }
0x45: {  	(erf) = vpow2.f32 v1;
	_ =	sdelay $0x2  }
0x46: {  	v35 =	vld [tilespmem:$0x920];
	_ =	sdelay $0x5  }
0x47: {  	v1 =	vpop (erf)  }
0x48: {  	v36 =	vld [tilespmem:$0x820];
	[tilespmem:$0xA10] =	vst v1  }
0x49: {  	v2 =	vld.idx.msk [tilespmem:v35+s2+$0x0], $0xffff;
	_ =	sdelay $0x4  }
0x4a: {  	v2 =	vadd.f32 v36, v2;
	_ =	sdelay $0x1  }
0x4b: {  	v3 =	vand.u32 $0x7FFFFFFF, v2  }
0x4c: {  	v3 =	vadd.f32 v3, v3;
	_ =	sdelay $0x1  }
0x4d: {  	v3 =	vmul.f32 $1.442695020e+00, v3;
	_ =	sdelay $0x1  }
0x4e: {  	(erf) = vpow2.f32 v3;
	_ =	sdelay $0x8  }
0x4f: {  	v3 =	vpop (erf)  }
0x50: {  	v3 =	vadd.f32 $1.000000000e+00, v3;
	_ =	sdelay $0x1  }
0x51: {  	(erf) = vrcp.f32 v3;
	_ =	sdelay $0x8  }
0x52: {  	v3 =	vpop (erf)  }
0x53: {  	v3 =	vadd.f32 v3, v3;
	_ =	sdelay $0x1  }
0x54: {  	v3 =	vsub.f32 $1.000000000e+00, v3;
	_ =	sdelay $0x1  }
0x55: {  	v4 =	vsub.f32 $0.0e+00, v3  }
0x56: {  	vm14 =	vlt.f32 v2, $0.0e+00  }
0x57: {  	v2 =	vsel vm14, v4, v3  }
0x58: {  	v2 =	vmul.f32 $1.442695020e+00, v2;
	_ =	sdelay $0x1  }
0x59: {  	(erf) = vpow2.f32 v2;
	_ =	sdelay $0x2  }
0x5a: {  	v37 =	vld [tilespmem:$0x930];
	_ =	sdelay $0x5  }
0x5b: {  	v2 =	vpop (erf)  }
0x5c: {  	v38 =	vld [tilespmem:$0x830];
	[tilespmem:$0xA20] =	vst v2  }
0x5d: {  	v3 =	vld.idx.msk [tilespmem:v37+s2+$0x0], $0xffff;
	_ =	sdelay $0x4  }
0x5e: {  	v3 =	vadd.f32 v38, v3;
	_ =	sdelay $0x1  }
0x5f: {  	v4 =	vand.u32 $0x7FFFFFFF, v3  }
0x60: {  	v4 =	vadd.f32 v4, v4;
	_ =	sdelay $0x1  }
0x61: {  	v4 =	vmul.f32 $1.442695020e+00, v4;
	_ =	sdelay $0x1  }
0x62: {  	(erf) = vpow2.f32 v4;
	_ =	sdelay $0x8  }
0x63: {  	v4 =	vpop (erf)  }
0x64: {  	v4 =	vadd.f32 $1.000000000e+00, v4;
	_ =	sdelay $0x1  }
0x65: {  	(erf) = vrcp.f32 v4;
	_ =	sdelay $0x8  }
0x66: {  	v4 =	vpop (erf)  }
0x67: {  	v4 =	vadd.f32 v4, v4;
	_ =	sdelay $0x1  }
0x68: {  	v4 =	vsub.f32 $1.000000000e+00, v4;
	_ =	sdelay $0x1  }
0x69: {  	v5 =	vsub.f32 $0.0e+00, v4  }
0x6a: {  	vm15 =	vlt.f32 v3, $0.0e+00  }
0x6b: {  	v3 =	vsel vm15, v5, v4  }
0x6c: {  	v3 =	vmul.f32 $1.442695020e+00, v3;
	_ =	sdelay $0x1  }
0x6d: {  	(erf) = vpow2.f32 v3;
	_ =	sdelay $0x2  }
0x6e: {  	v39 =	vld [tilespmem:$0x940];
	_ =	sdelay $0x5  }
0x6f: {  	v3 =	vpop (erf)  }
0x70: {  	v40 =	vld [tilespmem:$0x840];
	[tilespmem:$0xA30] =	vst v3  }
0x71: {  	v4 =	vld.idx.msk [tilespmem:v39+s2+$0x0], $0xffff;
	_ =	sdelay $0x4  }
0x72: {  	v4 =	vadd.f32 v40, v4;
	_ =	sdelay $0x1  }
0x73: {  	v5 =	vand.u32 $0x7FFFFFFF, v4  }
0x74: {  	v5 =	vadd.f32 v5, v5;
	_ =	sdelay $0x1  }
0x75: {  	v5 =	vmul.f32 $1.442695020e+00, v5;
	_ =	sdelay $0x1  }
0x76: {  	(erf) = vpow2.f32 v5;
	_ =	sdelay $0x8  }
0x77: {  	v5 =	vpop (erf)  }
0x78: {  	v5 =	vadd.f32 $1.000000000e+00, v5;
	_ =	sdelay $0x1  }
0x79: {  	(erf) = vrcp.f32 v5;
	_ =	sdelay $0x8  }
0x7a: {  	v5 =	vpop (erf)  }
0x7b: {  	v5 =	vadd.f32 v5, v5;
	_ =	sdelay $0x1  }
0x7c: {  	v5 =	vsub.f32 $1.000000000e+00, v5;
	_ =	sdelay $0x1  }
0x7d: {  	v6 =	vsub.f32 $0.0e+00, v5  }
0x7e: {  	vm4 =	vlt.f32 v4, $0.0e+00  }
0x7f: {  	v4 =	vsel vm4, v6, v5  }
0x80: {  	v4 =	vmul.f32 $1.442695020e+00, v4;
	_ =	sdelay $0x1  }
0x81: {  	(erf) = vpow2.f32 v4;
	_ =	sdelay $0x2  }
0x82: {  	v41 =	vld [tilespmem:$0x950];
	_ =	sdelay $0x5  }
0x83: {  	v4 =	vpop (erf)  }
0x84: {  	v42 =	vld [tilespmem:$0x850];
	[tilespmem:$0xA40] =	vst v4  }
0x85: {  	v5 =	vld.idx.msk [tilespmem:v41+s2+$0x0], $0xffff;
	_ =	sdelay $0x4  }
0x86: {  	v5 =	vadd.f32 v42, v5;
	_ =	sdelay $0x1  }
0x87: {  	v6 =	vand.u32 $0x7FFFFFFF, v5  }
0x88: {  	v6 =	vadd.f32 v6, v6;
	_ =	sdelay $0x1  }
0x89: {  	v6 =	vmul.f32 $1.442695020e+00, v6;
	_ =	sdelay $0x1  }
0x8a: {  	(erf) = vpow2.f32 v6;
	_ =	sdelay $0x8  }
0x8b: {  	v6 =	vpop (erf)  }
0x8c: {  	v6 =	vadd.f32 $1.000000000e+00, v6;
	_ =	sdelay $0x1  }
0x8d: {  	(erf) = vrcp.f32 v6;
	_ =	sdelay $0x8  }
0x8e: {  	v6 =	vpop (erf)  }
0x8f: {  	v6 =	vadd.f32 v6, v6;
	_ =	sdelay $0x1  }
0x90: {  	v6 =	vsub.f32 $1.000000000e+00, v6;
	_ =	sdelay $0x1  }
0x91: {  	v7 =	vsub.f32 $0.0e+00, v6  }
0x92: {  	vm5 =	vlt.f32 v5, $0.0e+00  }
0x93: {  	v5 =	vsel vm5, v7, v6  }
0x94: {  	v5 =	vmul.f32 $1.442695020e+00, v5;
	_ =	sdelay $0x1  }
0x95: {  	(erf) = vpow2.f32 v5;
	_ =	sdelay $0x2  }
0x96: {  	v43 =	vld [tilespmem:$0x960];
	_ =	sdelay $0x5  }
0x97: {  	v5 =	vpop (erf)  }
0x98: {  	v44 =	vld [tilespmem:$0x860];
	[tilespmem:$0xA50] =	vst v5  }
0x99: {  	v6 =	vld.idx.msk [tilespmem:v43+s2+$0x0], $0xffff;
	_ =	sdelay $0x4  }
0x9a: {  	v6 =	vadd.f32 v44, v6;
	_ =	sdelay $0x1  }
0x9b: {  	v7 =	vand.u32 $0x7FFFFFFF, v6  }
0x9c: {  	v7 =	vadd.f32 v7, v7;
	_ =	sdelay $0x1  }
0x9d: {  	v7 =	vmul.f32 $1.442695020e+00, v7;
	_ =	sdelay $0x1  }
0x9e: {  	(erf) = vpow2.f32 v7;
	_ =	sdelay $0x8  }
0x9f: {  	v7 =	vpop (erf)  }
0xa0: {  	v7 =	vadd.f32 $1.000000000e+00, v7;
	_ =	sdelay $0x1  }
0xa1: {  	(erf) = vrcp.f32 v7;
	_ =	sdelay $0x8  }
0xa2: {  	v7 =	vpop (erf)  }
0xa3: {  	v7 =	vadd.f32 v7, v7;
	_ =	sdelay $0x1  }
0xa4: {  	v7 =	vsub.f32 $1.000000000e+00, v7;
	_ =	sdelay $0x1  }
0xa5: {  	v8 =	vsub.f32 $0.0e+00, v7  }
0xa6: {  	vm6 =	vlt.f32 v6, $0.0e+00  }
0xa7: {  	v6 =	vsel vm6, v8, v7  }
0xa8: {  	v6 =	vmul.f32 $1.442695020e+00, v6;
	_ =	sdelay $0x1  }
0xa9: {  	(erf) = vpow2.f32 v6;
	_ =	sdelay $0x2  }
0xaa: {  	v45 =	vld [tilespmem:$0x970];
	_ =	sdelay $0x5  }
0xab: {  	v6 =	vpop (erf)  }
0xac: {  	v46 =	vld [tilespmem:$0x870];
	[tilespmem:$0xA60] =	vst v6  }
0xad: {  	v7 =	vld.idx.msk [tilespmem:v45+s2+$0x0], $0xffff;
	_ =	sdelay $0x4  }
0xae: {  	v7 =	vadd.f32 v46, v7;
	_ =	sdelay $0x1  }
0xaf: {  	v8 =	vand.u32 $0x7FFFFFFF, v7  }
0xb0: {  	v8 =	vadd.f32 v8, v8;
	_ =	sdelay $0x1  }
0xb1: {  	v8 =	vmul.f32 $1.442695020e+00, v8;
	_ =	sdelay $0x1  }
0xb2: {  	(erf) = vpow2.f32 v8;
	_ =	sdelay $0x8  }
0xb3: {  	v8 =	vpop (erf)  }
0xb4: {  	v8 =	vadd.f32 $1.000000000e+00, v8;
	_ =	sdelay $0x1  }
0xb5: {  	(erf) = vrcp.f32 v8;
	_ =	sdelay $0x8  }
0xb6: {  	v8 =	vpop (erf)  }
0xb7: {  	v8 =	vadd.f32 v8, v8;
	_ =	sdelay $0x1  }
0xb8: {  	v8 =	vsub.f32 $1.000000000e+00, v8;
	_ =	sdelay $0x1  }
0xb9: {  	v9 =	vsub.f32 $0.0e+00, v8  }
0xba: {  	vm7 =	vlt.f32 v7, $0.0e+00  }
0xbb: {  	v7 =	vsel vm7, v9, v8  }
0xbc: {  	v7 =	vmul.f32 $1.442695020e+00, v7;
	_ =	sdelay $0x1  }
0xbd: {  	(erf) = vpow2.f32 v7;
	_ =	sdelay $0x2  }
0xbe: {  	v47 =	vld [tilespmem:$0x980];
	_ =	sdelay $0x5  }
0xbf: {  	v7 =	vpop (erf)  }
0xc0: {  	v48 =	vld [tilespmem:$0x880];
	[tilespmem:$0xA70] =	vst v7  }
0xc1: {  	v8 =	vld.idx.msk [tilespmem:v47+s2+$0x0], $0xffff;
	_ =	sdelay $0x4  }
0xc2: {  	v8 =	vadd.f32 v48, v8;
	_ =	sdelay $0x1  }
0xc3: {  	v9 =	vand.u32 $0x7FFFFFFF, v8  }
0xc4: {  	v9 =	vadd.f32 v9, v9;
	_ =	sdelay $0x1  }
0xc5: {  	v9 =	vmul.f32 $1.442695020e+00, v9;
	_ =	sdelay $0x1  }
0xc6: {  	(erf) = vpow2.f32 v9;
	_ =	sdelay $0x8  }
0xc7: {  	v9 =	vpop (erf)  }
0xc8: {  	v9 =	vadd.f32 $1.000000000e+00, v9;
	_ =	sdelay $0x1  }
0xc9: {  	(erf) = vrcp.f32 v9;
	_ =	sdelay $0x8  }
0xca: {  	v9 =	vpop (erf)  }
0xcb: {  	v9 =	vadd.f32 v9, v9;
	_ =	sdelay $0x1  }
0xcc: {  	v9 =	vsub.f32 $1.000000000e+00, v9;
	_ =	sdelay $0x1  }
0xcd: {  	v10 =	vsub.f32 $0.0e+00, v9  }
0xce: {  	vm8 =	vlt.f32 v8, $0.0e+00  }
0xcf: {  	v8 =	vsel vm8, v10, v9  }
0xd0: {  	v8 =	vmul.f32 $1.442695020e+00, v8;
	_ =	sdelay $0x1  }
0xd1: {  	(erf) = vpow2.f32 v8;
	_ =	sdelay $0x2  }
0xd2: {  	v49 =	vld [tilespmem:$0x990];
	_ =	sdelay $0x5  }
0xd3: {  	v8 =	vpop (erf)  }
0xd4: {  	v50 =	vld [tilespmem:$0x890];
	[tilespmem:$0xA80] =	vst v8  }
0xd5: {  	v9 =	vld.idx.msk [tilespmem:v49+s2+$0x0], $0xffff;
	_ =	sdelay $0x4  }
0xd6: {  	v9 =	vadd.f32 v50, v9;
	_ =	sdelay $0x1  }
0xd7: {  	v10 =	vand.u32 $0x7FFFFFFF, v9  }
0xd8: {  	v10 =	vadd.f32 v10, v10;
	_ =	sdelay $0x1  }
0xd9: {  	v10 =	vmul.f32 $1.442695020e+00, v10;
	_ =	sdelay $0x1  }
0xda: {  	(erf) = vpow2.f32 v10;
	_ =	sdelay $0x8  }
0xdb: {  	v10 =	vpop (erf)  }
0xdc: {  	v10 =	vadd.f32 $1.000000000e+00, v10;
	_ =	sdelay $0x1  }
0xdd: {  	(erf) = vrcp.f32 v10;
	_ =	sdelay $0x8  }
0xde: {  	v10 =	vpop (erf)  }
0xdf: {  	v10 =	vadd.f32 v10, v10;
	_ =	sdelay $0x1  }
0xe0: {  	v10 =	vsub.f32 $1.000000000e+00, v10;
	_ =	sdelay $0x1  }
0xe1: {  	v11 =	vsub.f32 $0.0e+00, v10  }
0xe2: {  	vm9 =	vlt.f32 v9, $0.0e+00  }
0xe3: {  	v9 =	vsel vm9, v11, v10  }
0xe4: {  	v9 =	vmul.f32 $1.442695020e+00, v9;
	_ =	sdelay $0x1  }
0xe5: {  	(erf) = vpow2.f32 v9;
	_ =	sdelay $0x2  }
0xe6: {  	v51 =	vld [tilespmem:$0x9A0];
	_ =	sdelay $0x5  }
0xe7: {  	v9 =	vpop (erf)  }
0xe8: {  	v52 =	vld [tilespmem:$0x8A0];
	[tilespmem:$0xA90] =	vst v9  }
0xe9: {  	v10 =	vld.idx.msk [tilespmem:v51+s2+$0x0], $0xffff;
	_ =	sdelay $0x4  }
0xea: {  	v10 =	vadd.f32 v52, v10;
	_ =	sdelay $0x1  }
0xeb: {  	v11 =	vand.u32 $0x7FFFFFFF, v10  }
0xec: {  	v11 =	vadd.f32 v11, v11;
	_ =	sdelay $0x1  }
0xed: {  	v11 =	vmul.f32 $1.442695020e+00, v11;
	_ =	sdelay $0x1  }
0xee: {  	(erf) = vpow2.f32 v11;
	_ =	sdelay $0x8  }
0xef: {  	v11 =	vpop (erf)  }
0xf0: {  	v11 =	vadd.f32 $1.000000000e+00, v11;
	_ =	sdelay $0x1  }
0xf1: {  	(erf) = vrcp.f32 v11;
	_ =	sdelay $0x8  }
0xf2: {  	v11 =	vpop (erf)  }
0xf3: {  	v11 =	vadd.f32 v11, v11;
	_ =	sdelay $0x1  }
0xf4: {  	v11 =	vsub.f32 $1.000000000e+00, v11;
	_ =	sdelay $0x1  }
0xf5: {  	v12 =	vsub.f32 $0.0e+00, v11  }
0xf6: {  	vm10 =	vlt.f32 v10, $0.0e+00  }
0xf7: {  	v10 =	vsel vm10, v12, v11  }
0xf8: {  	v10 =	vmul.f32 $1.442695020e+00, v10;
	_ =	sdelay $0x1  }
0xf9: {  	(erf) = vpow2.f32 v10;
	_ =	sdelay $0x2  }
0xfa: {  	v53 =	vld [tilespmem:$0x9B0];
	_ =	sdelay $0x5  }
0xfb: {  	v54 =	vpop (erf)  }
0xfc: {  	v55 =	vld [tilespmem:$0x8B0];
	[tilespmem:$0xAA0] =	vst v54  }
0xfd: {  	v10 =	vld.idx.msk [tilespmem:v53+s2+$0x0], $0xffff;
	_ =	sdelay $0x4  }
0xfe: {  	v10 =	vadd.f32 v55, v10;
	_ =	sdelay $0x1  }
0xff: {  	v12 =	vand.u32 $0x7FFFFFFF, v10  }
0x100: {  	v12 =	vadd.f32 v12, v12;
	_ =	sdelay $0x1  }
0x101: {  	v12 =	vmul.f32 $1.442695020e+00, v12;
	_ =	sdelay $0x1  }
0x102: {  	(erf) = vpow2.f32 v12;
	_ =	sdelay $0x8  }
0x103: {  	v12 =	vpop (erf)  }
0x104: {  	v12 =	vadd.f32 $1.000000000e+00, v12;
	_ =	sdelay $0x1  }
0x105: {  	(erf) = vrcp.f32 v12;
	_ =	sdelay $0x8  }
0x106: {  	v12 =	vpop (erf)  }
0x107: {  	v12 =	vadd.f32 v12, v12;
	_ =	sdelay $0x1  }
0x108: {  	v12 =	vsub.f32 $1.000000000e+00, v12;
	_ =	sdelay $0x1  }
0x109: {  	v13 =	vsub.f32 $0.0e+00, v12  }
0x10a: {  	vm11 =	vlt.f32 v10, $0.0e+00  }
0x10b: {  	v10 =	vsel vm11, v13, v12  }
0x10c: {  	v10 =	vmul.f32 $1.442695020e+00, v10;
	_ =	sdelay $0x1  }
0x10d: {  	(erf) = vpow2.f32 v10;
	_ =	sdelay $0x2  }
0x10e: {  	v56 =	vld [tilespmem:$0x9C0];
	_ =	sdelay $0x5  }
0x10f: {  	v57 =	vpop (erf)  }
0x110: {  	v58 =	vld [tilespmem:$0x8C0];
	[tilespmem:$0xAB0] =	vst v57  }
0x111: {  	v10 =	vld.idx.msk [tilespmem:v56+s2+$0x0], $0xffff;
	_ =	sdelay $0x4  }
0x112: {  	v10 =	vadd.f32 v58, v10;
	_ =	sdelay $0x1  }
0x113: {  	v13 =	vand.u32 $0x7FFFFFFF, v10  }
0x114: {  	v13 =	vadd.f32 v13, v13;
	_ =	sdelay $0x1  }
0x115: {  	v13 =	vmul.f32 $1.442695020e+00, v13;
	_ =	sdelay $0x1  }
0x116: {  	(erf) = vpow2.f32 v13;
	_ =	sdelay $0x8  }
0x117: {  	v13 =	vpop (erf)  }
0x118: {  	v13 =	vadd.f32 $1.000000000e+00, v13;
	_ =	sdelay $0x1  }
0x119: {  	(erf) = vrcp.f32 v13;
	_ =	sdelay $0x8  }
0x11a: {  	v13 =	vpop (erf)  }
0x11b: {  	v13 =	vadd.f32 v13, v13;
	_ =	sdelay $0x1  }
0x11c: {  	v13 =	vsub.f32 $1.000000000e+00, v13;
	_ =	sdelay $0x1  }
0x11d: {  	v14 =	vsub.f32 $0.0e+00, v13  }
0x11e: {  	vm12 =	vlt.f32 v10, $0.0e+00  }
0x11f: {  	v10 =	vsel vm12, v14, v13  }
0x120: {  	v10 =	vmul.f32 $1.442695020e+00, v10;
	_ =	sdelay $0x1  }
0x121: {  	(erf) = vpow2.f32 v10;
	_ =	sdelay $0x2  }
0x122: {  	v59 =	vld [tilespmem:$0x9D0];
	_ =	sdelay $0x5  }
0x123: {  	v60 =	vpop (erf)  }
0x124: {  	v61 =	vld [tilespmem:$0x8D0];
	[tilespmem:$0xAC0] =	vst v60  }
0x125: {  	v10 =	vld.idx.msk [tilespmem:v59+s2+$0x0], $0xffff;
	_ =	sdelay $0x4  }
0x126: {  	v10 =	vadd.f32 v61, v10;
	_ =	sdelay $0x1  }
0x127: {  	v14 =	vand.u32 $0x7FFFFFFF, v10  }
0x128: {  	v14 =	vadd.f32 v14, v14;
	_ =	sdelay $0x1  }
0x129: {  	v14 =	vmul.f32 $1.442695020e+00, v14;
	_ =	sdelay $0x1  }
0x12a: {  	(erf) = vpow2.f32 v14;
	_ =	sdelay $0x8  }
0x12b: {  	v14 =	vpop (erf)  }
0x12c: {  	v14 =	vadd.f32 $1.000000000e+00, v14;
	_ =	sdelay $0x1  }
0x12d: {  	(erf) = vrcp.f32 v14;
	_ =	sdelay $0x8  }
0x12e: {  	v14 =	vpop (erf)  }
0x12f: {  	v14 =	vadd.f32 v14, v14;
	_ =	sdelay $0x1  }
0x130: {  	v14 =	vsub.f32 $1.000000000e+00, v14;
	_ =	sdelay $0x1  }
0x131: {  	v15 =	vsub.f32 $0.0e+00, v14  }
0x132: {  	vm13 =	vlt.f32 v10, $0.0e+00  }
0x133: {  	v10 =	vsel vm13, v15, v14  }
0x134: {  	v10 =	vmul.f32 $1.442695020e+00, v10;
	_ =	sdelay $0x1  }
0x135: {  	(erf) = vpow2.f32 v10;
	_ =	sdelay $0x2  }
0x136: {  	v62 =	vld [tilespmem:$0x9E0];
	_ =	sdelay $0x5  }
0x137: {  	v63 =	vpop (erf)  }
0x138: {  	v19 =	vld [tilespmem:$0x8E0];
	[tilespmem:$0xAD0] =	vst v63  }
0x139: {  	v10 =	vld.idx.msk [tilespmem:v62+s2+$0x0], $0xffff;
	_ =	sdelay $0x4  }
0x13a: {  	v10 =	vadd.f32 v19, v10;
	_ =	sdelay $0x1  }
0x13b: {  	v15 =	vand.u32 $0x7FFFFFFF, v10  }
0x13c: {  	v15 =	vadd.f32 v15, v15;
	_ =	sdelay $0x1  }
0x13d: {  	v15 =	vmul.f32 $1.442695020e+00, v15;
	_ =	sdelay $0x1  }
0x13e: {  	(erf) = vpow2.f32 v15;
	_ =	sdelay $0x8  }
0x13f: {  	v15 =	vpop (erf)  }
0x140: {  	v15 =	vadd.f32 $1.000000000e+00, v15;
	_ =	sdelay $0x1  }
0x141: {  	(erf) = vrcp.f32 v15;
	_ =	sdelay $0x8  }
0x142: {  	v15 =	vpop (erf)  }
0x143: {  	v15 =	vadd.f32 v15, v15;
	_ =	sdelay $0x1  }
0x144: {  	v15 =	vsub.f32 $1.000000000e+00, v15;
	_ =	sdelay $0x1  }
0x145: {  	v16 =	vsub.f32 $0.0e+00, v15  }
0x146: {  	vm14 =	vlt.f32 v10, $0.0e+00  }
0x147: {  	v10 =	vsel vm14, v16, v15  }
0x148: {  	v10 =	vmul.f32 $1.442695020e+00, v10;
	_ =	sdelay $0x1  }
0x149: {  	(erf) = vpow2.f32 v10;
	_ =	sdelay $0x2  }
0x14a: {  	v20 =	vld [tilespmem:$0x9F0];
	_ =	sdelay $0x5  }
0x14b: {  	v21 =	vpop (erf)  }
0x14c: {  	v22 =	vld [tilespmem:$0x8F0];
	[tilespmem:$0xAE0] =	vst v21  }
0x14d: {  	v10 =	vld.idx.msk [tilespmem:v20+s2+$0x0], $0xffff;
	_ =	sdelay $0x4  }
0x14e: {  	v10 =	vadd.f32 v22, v10;
	_ =	sdelay $0x1  }
0x14f: {  	v16 =	vand.u32 $0x7FFFFFFF, v10  }
0x150: {  	v16 =	vadd.f32 v16, v16;
	_ =	sdelay $0x1  }
0x151: {  	v16 =	vmul.f32 $1.442695020e+00, v16;
	_ =	sdelay $0x1  }
0x152: {  	(erf) = vpow2.f32 v16;
	_ =	sdelay $0x8  }
0x153: {  	v16 =	vpop (erf)  }
0x154: {  	v16 =	vadd.f32 $1.000000000e+00, v16  }
0x155: {  	v0 =	vadd.f32 $0.0e+00, v0  }
0x156: {  	(erf) = vrcp.f32 v16  }
0x157: {  	v0 =	vadd.f32 v1, v0;
	_ =	sdelay $0x1  }
0x158: {  	v0 =	vadd.f32 v2, v0;
	_ =	sdelay $0x1  }
0x159: {  	v0 =	vadd.f32 v3, v0;
	_ =	sdelay $0x1  }
0x15a: {  	v0 =	vadd.f32 v4, v0;
	_ =	sdelay $0x1  }
0x15b: {  	v0 =	vadd.f32 v5, v0;
	v23 =	vpop (erf)  }
0x15c: {  	v1 =	vadd.f32 v23, v23  }
0x15d: {  	v0 =	vadd.f32 v6, v0  }
0x15e: {  	v1 =	vsub.f32 $1.000000000e+00, v1  }
0x15f: {  	v0 =	vadd.f32 v7, v0  }
0x160: {  	v24 =	vsub.f32 $0.0e+00, v1  }
0x161: {  	v0 =	vadd.f32 v8, v0;
	vm15 =	vlt.f32 v10, $0.0e+00  }
0x162: {  	v1 =	vsel vm15, v24, v1  }
0x163: {  	v0 =	vadd.f32 v9, v0;
	v1 =	vmul.f32 $1.442695020e+00, v1;
	_ =	sdelay $0x1  }
0x164: {  	v0 =	vadd.f32 v54, v0;
	(erf) = vpow2.f32 v1;
	_ =	sdelay $0x1  }
0x165: {  	v0 =	vadd.f32 v57, v0;
	_ =	sdelay $0x1  }
0x166: {  	v0 =	vadd.f32 v60, v0;
	_ =	sdelay $0x1  }
0x167: {  	v0 =	vadd.f32 v63, v0;
	_ =	sdelay $0x1  }
0x168: {  	v0 =	vadd.f32 v21, v0  }
0x169: {  	v1 =	vpop (erf)  }
0x16a: {  	v0 =	vadd.f32 v1, v0  }
0x16b: {  	[tilespmem:$0xAF0] =	vst v1  }
0x16c: {  	[tilespmem:$0xB00] =	vst v0  }
0x16d: {  	[hbm4b:s6+s2] =	stream.linear.scatter [tilespmem:s17], [sflag:$0x4], $0x80, $0x38;
	[tilespmem:$0xF80] =	vst v63  }
0x16e: {  	_ =	swait.ge [sflag:s18], $0x80  }
0x16f: {  	[sflag:s18] =	ssyncset.done $0x0  }
0x170: {  	[sflag:s18] =	ssyncadd.s32 $0xFFFFFF80  }
0x171: {  	[bflag:$0x0] =	sbarrier.arrive $0xFFFF  }
0x172: {  	[tilespmem:s19], [sflag:$0x4] =	stream.linear.gather [hbm4b:s7+s2], $0x400, $0x38;
	[tilespmem:$0xF80] =	vst v63  }
0x173: {  	_ =	swait.ge [sflag:s18], $0x400  }
0x174: {  	[sflag:s18] =	ssyncset.done $0x0  }
0x175: {  	[sflag:s18] =	ssyncadd.s32 $0xFFFFFC00  }
0x176: {  	v25 =	vld [tilespmem:$0xB80];
	_ =	sdelay $0x1  }
0x177: {  	v26 =	vld [tilespmem:$0xC00];
	_ =	sdelay $0x1  }
0x178: {  	v27 =	vld [tilespmem:$0xC80]  }
0x179: {  	v0 =	vadd.f32 $0.0e+00, v25  }
0x17a: {  	v28 =	vld [tilespmem:$0xD00]  }
0x17b: {  	v0 =	vadd.f32 v26, v0  }
0x17c: {  	v29 =	vld [tilespmem:$0xD80]  }
0x17d: {  	v0 =	vadd.f32 v27, v0  }
0x17e: {  	v30 =	vld [tilespmem:$0xE00]  }
0x17f: {  	v0 =	vadd.f32 v28, v0  }
0x180: {  	v31 =	vld [tilespmem:$0xE80]  }
0x181: {  	v0 =	vadd.f32 v29, v0  }
0x182: {  	v32 =	vld [tilespmem:$0xF00]  }
0x183: {  	v0 =	vadd.f32 v30, v0;
	_ =	sdelay $0x1  }
0x184: {  	v0 =	vadd.f32 v31, v0;
	_ =	sdelay $0x1  }
0x185: {  	v0 =	vadd.f32 v32, v0;
	_ =	sdelay $0x1  }
0x186: {  	(xrf2) =	vadd.scan.msk.f32 $0xffff, v0;
	_ =	sdelay $0x9  }
0x187: {  	v0, _, _ =	vpop (xrf2)  }
0x188: {  	v0 =	vadd.f32 $1.000000010e-07, v0;
	_ =	sdelay $0x1  }
0x189: {  	v0 =	vbroadcast v0, $0xF;
	_ =	sdelay $0x1  }
0x18a: {  	(erf) = vrcp.f32 v0;
	_ =	sdelay $0x4  }
0x18b: {  	v33 =	vld [tilespmem:$0xA00]  }
0x18c: {  	v34 =	vld [tilespmem:$0xA10]  }
0x18d: {  	v35 =	vld [tilespmem:$0xA20]  }
0x18e: {  	v36 =	vld [tilespmem:$0xA30]  }
0x18f: {  	v38 =	vld [tilespmem:$0xA40];
	v37 =	vpop (erf)  }
0x190: {  	v39 =	vld [tilespmem:$0xA50];
	v0 =	vmul.f32 v37, v33  }
0x191: {  	v40 =	vld [tilespmem:$0xA60];
	v1 =	vmul.f32 v37, v34  }
0x192: {  	v42 =	vld [tilespmem:$0xA70];
	v41 =	vmul.f32 v37, v35;
	[tilespmem:$0xA00] =	vst v0  }
0x193: {  	v44 =	vld [tilespmem:$0xA80];
	v43 =	vmul.f32 v36, v37;
	[tilespmem:$0xA10] =	vst v1  }
0x194: {  	v46 =	vld [tilespmem:$0xA90];
	v45 =	vmul.f32 v38, v37;
	[tilespmem:$0xA20] =	vst v41  }
0x195: {  	v48 =	vld [tilespmem:$0xAA0];
	v47 =	vmul.f32 v39, v37;
	[tilespmem:$0xA30] =	vst v43  }
0x196: {  	v50 =	vld [tilespmem:$0xAB0];
	v49 =	vmul.f32 v40, v37;
	[tilespmem:$0xA40] =	vst v45  }
0x197: {  	v52 =	vld [tilespmem:$0xAC0];
	v51 =	vmul.f32 v42, v37;
	[tilespmem:$0xA50] =	vst v47  }
0x198: {  	v54 =	vld [tilespmem:$0xAD0];
	v53 =	vmul.f32 v44, v37;
	[tilespmem:$0xA60] =	vst v49  }
0x199: {  	v56 =	vld [tilespmem:$0xAE0];
	v55 =	vmul.f32 v46, v37;
	[tilespmem:$0xA70] =	vst v51  }
0x19a: {  	v58 =	vld [tilespmem:$0xAF0];
	v57 =	vmul.f32 v48, v37;
	[tilespmem:$0xA80] =	vst v53  }
0x19b: {  	v59 =	vmul.f32 v50, v37;
	[tilespmem:$0xA90] =	vst v55  }
0x19c: {  	v60 =	vmul.f32 v52, v37;
	[tilespmem:$0xAA0] =	vst v57  }
0x19d: {  	v61 =	vmul.f32 v54, v37;
	[tilespmem:$0xAB0] =	vst v59  }
0x19e: {  	v62 =	vmul.f32 v56, v37;
	[tilespmem:$0xAC0] =	vst v60  }
0x19f: {  	v63 =	vmul.f32 v58, v37;
	[tilespmem:$0xAD0] =	vst v61  }
0x1a0: {  	p0 =	sne.s32 s9, $0x1;
	[tilespmem:$0xAE0] =	vst v62  }
.Ltmp0:
0x1a1: {  	[tilespmem:$0xAF0] =	vst v63;
	(pc) =	sbr.rel @p0 .LBB2_1-.Ltmp0, $4  }
0x1a2: {  	[hbm4b:s8+s10] =	stream.strided.scatter [tilespmem:s20], [sflag:$0x4], $0x100, s11, s10, $0x38;
	[tilespmem:$0xF80] =	vst v63  }
0x1a3: {  	_ =	swait.ge [sflag:s18], $0x100  }
0x1a4: {  	[sflag:s18] =	ssyncset.done $0x0  }
0x1a5: {  	s9 =	sadd.s32 $0xFFFFFFFF, s9;
	[sflag:s18] =	ssyncadd.s32 $0xFFFFFF00  }
0x1a6: {  	_ =	sfence.sel $0x180000  }
0x1a7: {  	[bflag:$0x0] =	sbarrier.arrive $0xFFFF  }
0x1a8: {  	p0 =	sne.s32 s0, $0x0;
	_ =	strace $0x90000047  }
0x1a9: {  	s0 =	sadd.s32 @!p0 $0x100000, s1;
	[bflag:$0x2] =	sbarrier.arrive $0xFFFF  }
0x1aa: {  	[sflag:s0] =	ssyncadd.tile.s32 @!p0 $0x1;
	_ =	shalt  }
.Lfunc_end2:
_tile_overlayer_lowered:
.L_overlay_start_2:
0x1ab: {  	(tag) =	ssettag $0x2  }
0x1ac: {  	s0 =	rddreg [dreg:$0x0];
	s2 =	stileid.u32  }
0x1ad: {  	s1 =	rddreg [dreg:$0x1];
	p0 =	sne.s32 s2, $0x0  }
0x1ae: {  	s3 =	rddreg [dreg:$0x2];
	[bflag:$0x3] =	sbarrier.arrive $0xFFFF;
	s2 =	simm.s32 @!p0 $0x1C04  }
0x1af: {  	[timem:s3], [sflag:s2] =	dma.local @!p0 [hbm:s0], s1  }
0x1b0: {  	s0 =	simm.s32 @!p0 $0x4  }
0x1b1: {  	_ =	swait.ge @!p0 [sflag:s0], s1  }
0x1b2: {  	s1 =	ssub.s32 @!p0 $0x0, s1;
	[sflag:s0] =	ssyncset.done @!p0 $0x0  }
0x1b3: {  	[sflag:s0] =	ssyncadd.s32 @!p0 s1  }
0x1b4: {  	[bflag:$0x3] =	sbarrier.arrive $0xFFFF  }
0x1b5: {  	_ =	shalt  }

</sc_bundles>
